<compile_context>
chip_gen: v7x
topology: tpu7x:2x2x1
jax: 0.10.2.dev20260603
libtpu: 0.0.44.dev20260713+nightly
codegen_flags: <defaults>
</compile_context>

<pallas_src>
import functools

import jax
import jax.numpy as jnp
from jax import lax
from jax.experimental import pallas as pl
from jax.experimental.pallas import tpu as pltpu
from jax.experimental.pallas import tpu_sc as plsc

B, T, D = 16, 576, 256
N = B * T
K = 8192
BM = 512
BK = 2048

NC, NS = 2, 16
NW = NC * NS
ROWS_PER_W = N // NW
GCHUNK = 96
NCHUNK = ROWS_PER_W // GCHUNK


PARTS = ((0, 2736), (2736, 5472), (5472, K))
SEGMENTS = (
    (0, 2048, 0), (2048, 2736, 0),
    (2736, 4096, 1), (4096, 5472, 1),
    (5472, 6144, 2), (6144, 8192, 2),
)


def _argmin_body(x2_ref, x_ref, w_ref, c_refs, idx_ref, loss_ref):
    i = pl.program_id(0)
    x2 = x2_ref[...]
    xs = (x_ref[...] * 2.0).astype(jnp.bfloat16)
    pmin = [None, None, None]
    pidx = [None, None, None]
    for (s, e, p), c_ref in zip(SEGMENTS, c_refs):
        w = w_ref[s:e, :]
        c = c_ref[...]
        t = lax.dot_general(xs, w, (((1,), (1,)), ((), ())),
                            preferred_element_type=jnp.float32)
        scores = (x2[:, None] - t) + c[None, :]
        lm = jnp.min(scores, axis=1)
        iota = lax.broadcasted_iota(jnp.int32, (BM, e - s), 1) + s
        li = jnp.min(jnp.where(scores == lm[:, None], iota, K), axis=1)
        if pmin[p] is None:
            pmin[p], pidx[p] = lm, li
        else:
            better = lm < pmin[p]
            pidx[p] = jnp.where(better, li, pidx[p])
            pmin[p] = jnp.minimum(pmin[p], lm)
    accv = pmin[0].astype(jnp.bfloat16).astype(jnp.float32)
    acci = pidx[0]
    accval = pmin[0]
    for p in (1, 2):
        keep = accv <= pmin[p]
        acci = jnp.where(keep, acci, pidx[p])
        accval = jnp.where(keep, accval, pmin[p])
        accv = jnp.where(keep, accv, pmin[p]).astype(
            jnp.bfloat16).astype(jnp.float32)
    idx_ref[0, 0, :] = acci

    @pl.when(i == 0)
    def _():
        loss_ref[...] = jnp.zeros((1, 1), jnp.float32)

    loss_ref[...] += jnp.sum(accval).reshape(1, 1)


def _argmin_body_wrap(x2_ref, x_ref, w_ref, c0, c1, c2, c3, c4, c5,
                      idx_ref, loss_ref):
    _argmin_body(x2_ref, x_ref, w_ref, (c0, c1, c2, c3, c4, c5),
                 idx_ref, loss_ref)


def _argmin_call(x2, flat_x, W, c):
    nb = N // BM
    c_segs = [c[s:e] for (s, e, _) in SEGMENTS]
    return pl.pallas_call(
        _argmin_body_wrap,
        grid=(nb,),
        in_specs=[
            pl.BlockSpec((BM,), lambda i: (i,)),
            pl.BlockSpec((BM, D), lambda i: (i, 0)),
            pl.BlockSpec((K, D), lambda i: (0, 0)),
        ] + [
            pl.BlockSpec((e - s,), lambda i: (0,)) for (s, e, _) in SEGMENTS
        ],
        out_specs=[
            pl.BlockSpec((1, 1, BM), lambda i: (i, 0, 0)),
            pl.BlockSpec((1, 1), lambda i: (0, 0)),
        ],
        out_shape=[
            jax.ShapeDtypeStruct((nb, 1, BM), jnp.int32),
            jax.ShapeDtypeStruct((1, 1), jnp.float32),
        ],
    )(x2, flat_x, W, *c_segs)


def _gather_body(w_hbm, idx_hbm, out_hbm, idx_v, rows_v, sem):
    wid = lax.axis_index("s") * NC + lax.axis_index("c")
    base = wid * ROWS_PER_W
    pltpu.sync_copy(idx_hbm.at[wid], idx_v)
    for k in range(NCHUNK):
        pltpu.async_copy(w_hbm.at[idx_v.at[k]],
                         rows_v.at[pl.ds(k * GCHUNK, GCHUNK)], sem).wait()
    pltpu.sync_copy(rows_v, out_hbm.at[pl.ds(base, ROWS_PER_W)])


@functools.cache
def _make_gather():
    return pl.kernel(
        _gather_body,
        out_type=jax.ShapeDtypeStruct((N, D), jnp.float32),
        mesh=plsc.VectorSubcoreMesh(core_axis_name="c", subcore_axis_name="s"),
        scratch_types=[
            pltpu.VMEM((NCHUNK, GCHUNK), jnp.int32),
            pltpu.VMEM((ROWS_PER_W, D), jnp.float32),
            pltpu.SemaphoreType.DMA,
        ],
    )


def kernel(x, W):
    flat_x = x.reshape(N, D)
    x2 = jnp.sum(flat_x ** 2, axis=1)
    c = jnp.sum(W ** 2, axis=1)
    idx3, loss_sum = _argmin_call(x2, flat_x, W, c)
    idx = idx3.reshape(NW, NCHUNK, GCHUNK)
    q = _make_gather()(W, idx)
    quantized_st = flat_x + (q - flat_x)
    commitment_loss = loss_sum[0, 0] / float(N * D)
    return quantized_st.reshape(x.shape), commitment_loss

# --- scband reference (transcript-rebuilt; emitter-appended) ---
"""Pipeline reference for scband-vector-quantizer-ema-20890720928573 (READ-ONLY COPY).

The authoritative reference and input builder live on the scoring server;
editing this copy changes nothing except your own understanding.
"""

import jax, jax.numpy as jnp
import numpy as np


def setup_inputs(seed: int = 0) -> dict:
    key = jax.random.key(seed)
    k1, k2 = jax.random.split(key)
    B, T, D = 16, 576, 256
    K = 8192
    x = jax.random.normal(k1, (B, T, D), dtype=jnp.float32)
    # embedding table initialized uniform(-1/K, 1/K) like the torch module
    W = jax.random.uniform(k2, (K, D), dtype=jnp.float32, minval=-1.0 / K, maxval=1.0 / K)
    return {"x": x, "W": W}


def reference(x, W):
    # eval-mode forward of VectorQuantizerEMA (no EMA buffer updates)
    d = W.shape[1]
    flat_x = x.reshape(-1, d)
    # squared euclidean distances: ||x||^2 - 2 x W^T + ||W||^2
    distances = (
        jnp.sum(flat_x ** 2, axis=1, keepdims=True)
        - 2.0 * flat_x @ W.T
        + jnp.sum(W ** 2, axis=1)[None, :]
    )
    encoding_indices = jnp.argmin(distances, axis=1)
    quantized = jnp.take(W, encoding_indices, axis=0)
    commitment_loss = jnp.mean((flat_x - jax.lax.stop_gradient(quantized)) ** 2)
    quantized_st = flat_x + jax.lax.stop_gradient(quantized - flat_x)
    quantized_st = quantized_st.reshape(x.shape)
    return quantized_st, commitment_loss

if __name__ == "__main__":
    import jax
    _d = setup_inputs()
    print(jax.jit(kernel)(*tuple(_d.values())))

</pallas_src>

<mosaic_0001>
#map = affine_map<(d0, d1) -> (0, 0)>
#map1 = affine_map<(d0, d1) -> (0, 0, 0)>
module attributes {stable_mosaic.version = 14 : i64} {
  func.func @_gather_body(%arg0: i32, %arg1: i32, %arg2: memref<8192x256xf32, #tpu.memory_space<hbm>>, %arg3: memref<32x3x96xi32, #tpu.memory_space<hbm>>, %arg4: memref<9216x256xf32, #tpu.memory_space<hbm>>, %arg5: memref<3x96xi32, #tpu.memory_space<vmem>>, %arg6: memref<288x256xf32, #tpu.memory_space<vmem>>, %arg7: memref<!tpu.dma_semaphore, #tpu.memory_space<semaphore_mem>>) attributes {dimension_semantics = [#tpu.dimension_semantics<core_parallel>, #tpu.dimension_semantics<subcore_parallel>], iteration_bounds = array<i64: 2, 16>, scalar_prefetch = 0 : i64, scratch_operands = 3 : i64, tpu.core_type = #tpu.core_type<sc_vector_subcore>, window_params = [{transform_indices = #map}, {transform_indices = #map1}, {transform_indices = #map}]} {
    %mul3A = arith.constant 2 : i32
    %mul3A_0 = arith.muli %arg1, %mul3A : i32
    %add3A = arith.addi %mul3A_0, %arg0 : i32
    %mul3A_1 = arith.constant 288 : i32
    %mul3A_2 = arith.muli %add3A, %mul3A_1 : i32
    "tpu.region"() ({
      %run_scoped3A = tpu.sem_alloc : memref<!tpu.dma_semaphore, #tpu.memory_space<semaphore_mem>>
      %dma_start3A_61 = arith.constant 0 : i32
      %dma_start3A_62 = arith.constant 0 : i32
      %dma_start3A_63 = tpu.memref_slice %arg3[%add3A, %dma_start3A_61, %dma_start3A_62] : memref<32x3x96xi32, #tpu.memory_space<hbm>> -> memref<1x3x96xi32, #tpu.memory_space<hbm>>
      %dma_start3A_64 = tpu.memref_squeeze %dma_start3A_63 : memref<1x3x96xi32, #tpu.memory_space<hbm>> -> memref<3x96xi32, #tpu.memory_space<hbm>>
      %dma_start3A_65 = arith.constant 0 : i32
      %dma_start3A_66 = arith.constant 0 : i32
      %dma_start3A_67 = tpu.memref_slice %arg3[%add3A, %dma_start3A_65, %dma_start3A_66] : memref<32x3x96xi32, #tpu.memory_space<hbm>> -> memref<1x3x96xi32, #tpu.memory_space<hbm>>
      %dma_start3A_68 = tpu.memref_squeeze %dma_start3A_67 : memref<1x3x96xi32, #tpu.memory_space<hbm>> -> memref<3x96xi32, #tpu.memory_space<hbm>>
      tpu.enqueue_dma source(%dma_start3A_68 : memref<3x96xi32, #tpu.memory_space<hbm>>) target(%arg5 : memref<3x96xi32, #tpu.memory_space<vmem>>) target_semaphore(%run_scoped3A : memref<!tpu.dma_semaphore, #tpu.memory_space<semaphore_mem>>)
      %dma_wait3A_69 = arith.constant 0 : i32
      %dma_wait3A_70 = arith.constant 0 : i32
      %dma_wait3A_71 = tpu.memref_slice %arg3[%add3A, %dma_wait3A_69, %dma_wait3A_70] : memref<32x3x96xi32, #tpu.memory_space<hbm>> -> memref<1x3x96xi32, #tpu.memory_space<hbm>>
      %dma_wait3A_72 = tpu.memref_squeeze %dma_wait3A_71 : memref<1x3x96xi32, #tpu.memory_space<hbm>> -> memref<3x96xi32, #tpu.memory_space<hbm>>
      %dma_wait3A_73 = arith.constant 0 : i32
      %dma_wait3A_74 = arith.constant 0 : i32
      %dma_wait3A_75 = tpu.memref_slice %arg3[%add3A, %dma_wait3A_73, %dma_wait3A_74] : memref<32x3x96xi32, #tpu.memory_space<hbm>> -> memref<1x3x96xi32, #tpu.memory_space<hbm>>
      %dma_wait3A_76 = tpu.memref_squeeze %dma_wait3A_75 : memref<1x3x96xi32, #tpu.memory_space<hbm>> -> memref<3x96xi32, #tpu.memory_space<hbm>>
      tpu.wait_dma2 semaphore(%run_scoped3A : memref<!tpu.dma_semaphore, #tpu.memory_space<semaphore_mem>>) src(%dma_wait3A_76 : memref<3x96xi32, #tpu.memory_space<hbm>>) dst(%arg5 : memref<3x96xi32, #tpu.memory_space<vmem>>)
      tpu.yield
    }) : () -> ()
    %dma_start3A = arith.constant 0 : i32
    %dma_start3A_3 = arith.constant 0 : i32
    %dma_start3A_4 = arith.constant 0 : i32
    %dma_start3A_5 = tpu.memref_slice %arg6[%dma_start3A_3, %dma_start3A_4] : memref<288x256xf32, #tpu.memory_space<vmem>> -> memref<96x256xf32, #tpu.memory_space<vmem>>
    %dma_start3A_6 = arith.constant 0 : i32
    %dma_start3A_7 = tpu.memref_slice %arg5[%dma_start3A, %dma_start3A_6] : memref<3x96xi32, #tpu.memory_space<vmem>> -> memref<1x96xi32, #tpu.memory_space<vmem>>
    %dma_start3A_8 = tpu.memref_squeeze %dma_start3A_7 : memref<1x96xi32, #tpu.memory_space<vmem>> -> memref<96xi32, #tpu.memory_space<vmem>>
    %dma_start3A_9 = arith.constant 0 : i32
    %dma_start3A_10 = arith.constant 0 : i32
    %dma_start3A_11 = tpu.memref_slice %arg2[%dma_start3A_9, %dma_start3A_10] : memref<8192x256xf32, #tpu.memory_space<hbm>> -> memref<8192x256xf32, #tpu.memory_space<hbm>>
    tpu.enqueue_indirect_dma source(%dma_start3A_11 : memref<8192x256xf32, #tpu.memory_space<hbm>>) target(%dma_start3A_5 : memref<96x256xf32, #tpu.memory_space<vmem>>) offsets(%dma_start3A_8 : memref<96xi32, #tpu.memory_space<vmem>>) semaphore(%arg7 : memref<!tpu.dma_semaphore, #tpu.memory_space<semaphore_mem>>)
    %dma_wait3A = arith.constant 0 : i32
    %dma_wait3A_12 = arith.constant 0 : i32
    %dma_wait3A_13 = arith.constant 0 : i32
    %dma_wait3A_14 = tpu.memref_slice %arg6[%dma_wait3A_12, %dma_wait3A_13] : memref<288x256xf32, #tpu.memory_space<vmem>> -> memref<96x256xf32, #tpu.memory_space<vmem>>
    %dma_wait3A_15 = arith.constant 0 : i32
    %dma_wait3A_16 = tpu.memref_slice %arg5[%dma_wait3A, %dma_wait3A_15] : memref<3x96xi32, #tpu.memory_space<vmem>> -> memref<1x96xi32, #tpu.memory_space<vmem>>
    %dma_wait3A_17 = tpu.memref_squeeze %dma_wait3A_16 : memref<1x96xi32, #tpu.memory_space<vmem>> -> memref<96xi32, #tpu.memory_space<vmem>>
    %dma_wait3A_18 = arith.constant 0 : i32
    %dma_wait3A_19 = arith.constant 0 : i32
    %dma_wait3A_20 = tpu.memref_slice %arg2[%dma_wait3A_18, %dma_wait3A_19] : memref<8192x256xf32, #tpu.memory_space<hbm>> -> memref<8192x256xf32, #tpu.memory_space<hbm>>
    tpu.wait_indirect_dma semaphore(%arg7 : memref<!tpu.dma_semaphore, #tpu.memory_space<semaphore_mem>>) src(%dma_wait3A_20 : memref<8192x256xf32, #tpu.memory_space<hbm>>) dst(%dma_wait3A_14 : memref<96x256xf32, #tpu.memory_space<vmem>>)
    %dma_start3A_21 = arith.constant 1 : i32
    %dma_start3A_22 = arith.constant 96 : i32
    %dma_start3A_23 = arith.constant 0 : i32
    %dma_start3A_24 = tpu.memref_slice %arg6[%dma_start3A_22, %dma_start3A_23] : memref<288x256xf32, #tpu.memory_space<vmem>> -> memref<96x256xf32, #tpu.memory_space<vmem>>
    %dma_start3A_25 = arith.constant 0 : i32
    %dma_start3A_26 = tpu.memref_slice %arg5[%dma_start3A_21, %dma_start3A_25] : memref<3x96xi32, #tpu.memory_space<vmem>> -> memref<1x96xi32, #tpu.memory_space<vmem>>
    %dma_start3A_27 = tpu.memref_squeeze %dma_start3A_26 : memref<1x96xi32, #tpu.memory_space<vmem>> -> memref<96xi32, #tpu.memory_space<vmem>>
    %dma_start3A_28 = arith.constant 0 : i32
    %dma_start3A_29 = arith.constant 0 : i32
    %dma_start3A_30 = tpu.memref_slice %arg2[%dma_start3A_28, %dma_start3A_29] : memref<8192x256xf32, #tpu.memory_space<hbm>> -> memref<8192x256xf32, #tpu.memory_space<hbm>>
    tpu.enqueue_indirect_dma source(%dma_start3A_30 : memref<8192x256xf32, #tpu.memory_space<hbm>>) target(%dma_start3A_24 : memref<96x256xf32, #tpu.memory_space<vmem>>) offsets(%dma_start3A_27 : memref<96xi32, #tpu.memory_space<vmem>>) semaphore(%arg7 : memref<!tpu.dma_semaphore, #tpu.memory_space<semaphore_mem>>)
    %dma_wait3A_31 = arith.constant 1 : i32
    %dma_wait3A_32 = arith.constant 96 : i32
    %dma_wait3A_33 = arith.constant 0 : i32
    %dma_wait3A_34 = tpu.memref_slice %arg6[%dma_wait3A_32, %dma_wait3A_33] : memref<288x256xf32, #tpu.memory_space<vmem>> -> memref<96x256xf32, #tpu.memory_space<vmem>>
    %dma_wait3A_35 = arith.constant 0 : i32
    %dma_wait3A_36 = tpu.memref_slice %arg5[%dma_wait3A_31, %dma_wait3A_35] : memref<3x96xi32, #tpu.memory_space<vmem>> -> memref<1x96xi32, #tpu.memory_space<vmem>>
    %dma_wait3A_37 = tpu.memref_squeeze %dma_wait3A_36 : memref<1x96xi32, #tpu.memory_space<vmem>> -> memref<96xi32, #tpu.memory_space<vmem>>
    %dma_wait3A_38 = arith.constant 0 : i32
    %dma_wait3A_39 = arith.constant 0 : i32
    %dma_wait3A_40 = tpu.memref_slice %arg2[%dma_wait3A_38, %dma_wait3A_39] : memref<8192x256xf32, #tpu.memory_space<hbm>> -> memref<8192x256xf32, #tpu.memory_space<hbm>>
    tpu.wait_indirect_dma semaphore(%arg7 : memref<!tpu.dma_semaphore, #tpu.memory_space<semaphore_mem>>) src(%dma_wait3A_40 : memref<8192x256xf32, #tpu.memory_space<hbm>>) dst(%dma_wait3A_34 : memref<96x256xf32, #tpu.memory_space<vmem>>)
    %dma_start3A_41 = arith.constant 2 : i32
    %dma_start3A_42 = arith.constant 192 : i32
    %dma_start3A_43 = arith.constant 0 : i32
    %dma_start3A_44 = tpu.memref_slice %arg6[%dma_start3A_42, %dma_start3A_43] : memref<288x256xf32, #tpu.memory_space<vmem>> -> memref<96x256xf32, #tpu.memory_space<vmem>>
    %dma_start3A_45 = arith.constant 0 : i32
    %dma_start3A_46 = tpu.memref_slice %arg5[%dma_start3A_41, %dma_start3A_45] : memref<3x96xi32, #tpu.memory_space<vmem>> -> memref<1x96xi32, #tpu.memory_space<vmem>>
    %dma_start3A_47 = tpu.memref_squeeze %dma_start3A_46 : memref<1x96xi32, #tpu.memory_space<vmem>> -> memref<96xi32, #tpu.memory_space<vmem>>
    %dma_start3A_48 = arith.constant 0 : i32
    %dma_start3A_49 = arith.constant 0 : i32
    %dma_start3A_50 = tpu.memref_slice %arg2[%dma_start3A_48, %dma_start3A_49] : memref<8192x256xf32, #tpu.memory_space<hbm>> -> memref<8192x256xf32, #tpu.memory_space<hbm>>
    tpu.enqueue_indirect_dma source(%dma_start3A_50 : memref<8192x256xf32, #tpu.memory_space<hbm>>) target(%dma_start3A_44 : memref<96x256xf32, #tpu.memory_space<vmem>>) offsets(%dma_start3A_47 : memref<96xi32, #tpu.memory_space<vmem>>) semaphore(%arg7 : memref<!tpu.dma_semaphore, #tpu.memory_space<semaphore_mem>>)
    %dma_wait3A_51 = arith.constant 2 : i32
    %dma_wait3A_52 = arith.constant 192 : i32
    %dma_wait3A_53 = arith.constant 0 : i32
    %dma_wait3A_54 = tpu.memref_slice %arg6[%dma_wait3A_52, %dma_wait3A_53] : memref<288x256xf32, #tpu.memory_space<vmem>> -> memref<96x256xf32, #tpu.memory_space<vmem>>
    %dma_wait3A_55 = arith.constant 0 : i32
    %dma_wait3A_56 = tpu.memref_slice %arg5[%dma_wait3A_51, %dma_wait3A_55] : memref<3x96xi32, #tpu.memory_space<vmem>> -> memref<1x96xi32, #tpu.memory_space<vmem>>
    %dma_wait3A_57 = tpu.memref_squeeze %dma_wait3A_56 : memref<1x96xi32, #tpu.memory_space<vmem>> -> memref<96xi32, #tpu.memory_space<vmem>>
    %dma_wait3A_58 = arith.constant 0 : i32
    %dma_wait3A_59 = arith.constant 0 : i32
    %dma_wait3A_60 = tpu.memref_slice %arg2[%dma_wait3A_58, %dma_wait3A_59] : memref<8192x256xf32, #tpu.memory_space<hbm>> -> memref<8192x256xf32, #tpu.memory_space<hbm>>
    tpu.wait_indirect_dma semaphore(%arg7 : memref<!tpu.dma_semaphore, #tpu.memory_space<semaphore_mem>>) src(%dma_wait3A_60 : memref<8192x256xf32, #tpu.memory_space<hbm>>) dst(%dma_wait3A_54 : memref<96x256xf32, #tpu.memory_space<vmem>>)
    "tpu.region"() ({
      %run_scoped3A = tpu.sem_alloc : memref<!tpu.dma_semaphore, #tpu.memory_space<semaphore_mem>>
      %dma_start3A_61 = arith.constant 0 : i32
      %dma_start3A_62 = tpu.memref_slice %arg4[%mul3A_2, %dma_start3A_61] : memref<9216x256xf32, #tpu.memory_space<hbm>> -> memref<288x256xf32, #tpu.memory_space<hbm>>
      %dma_start3A_63 = arith.constant 0 : i32
      %dma_start3A_64 = tpu.memref_slice %arg4[%mul3A_2, %dma_start3A_63] : memref<9216x256xf32, #tpu.memory_space<hbm>> -> memref<288x256xf32, #tpu.memory_space<hbm>>
      tpu.enqueue_dma source(%arg6 : memref<288x256xf32, #tpu.memory_space<vmem>>) target(%dma_start3A_64 : memref<288x256xf32, #tpu.memory_space<hbm>>) target_semaphore(%run_scoped3A : memref<!tpu.dma_semaphore, #tpu.memory_space<semaphore_mem>>)
      %dma_wait3A_65 = arith.constant 0 : i32
      %dma_wait3A_66 = tpu.memref_slice %arg4[%mul3A_2, %dma_wait3A_65] : memref<9216x256xf32, #tpu.memory_space<hbm>> -> memref<288x256xf32, #tpu.memory_space<hbm>>
      %dma_wait3A_67 = arith.constant 0 : i32
      %dma_wait3A_68 = tpu.memref_slice %arg4[%mul3A_2, %dma_wait3A_67] : memref<9216x256xf32, #tpu.memory_space<hbm>> -> memref<288x256xf32, #tpu.memory_space<hbm>>
      tpu.wait_dma2 semaphore(%run_scoped3A : memref<!tpu.dma_semaphore, #tpu.memory_space<semaphore_mem>>) src(%arg6 : memref<288x256xf32, #tpu.memory_space<vmem>>) dst(%dma_wait3A_68 : memref<288x256xf32, #tpu.memory_space<hbm>>)
      tpu.yield
    }) : () -> ()
    return
  }
}

module attributes {stable_mosaic.version = 14 : i64} {
  func.func @_argmin_body_wrap(%arg0: i32, %arg1: memref<512xf32, #tpu.memory_space<vmem>>, %arg2: memref<512x256xf32, #tpu.memory_space<vmem>>, %arg3: memref<8192x256xf32, #tpu.memory_space<vmem>>, %arg4: memref<2048xf32, #tpu.memory_space<vmem>>, %arg5: memref<688xf32, #tpu.memory_space<vmem>>, %arg6: memref<1360xf32, #tpu.memory_space<vmem>>, %arg7: memref<1376xf32, #tpu.memory_space<vmem>>, %arg8: memref<672xf32, #tpu.memory_space<vmem>>, %arg9: memref<2048xf32, #tpu.memory_space<vmem>>, %arg10: memref<1x1x512xi32, #tpu.memory_space<vmem>>, %arg11: memref<1x1xf32, #tpu.memory_space<vmem>>) attributes {dimension_semantics = [#tpu.dimension_semantics<arbitrary>], iteration_bounds = array<i64: 18>, scalar_prefetch = 0 : i64, scratch_operands = 0 : i64, tpu.core_type = #tpu.core_type<tc>, window_params = [{transform_indices = @transform_0, window_bounds = array<i64: 512>}, {transform_indices = @transform_1, window_bounds = array<i64: 512, 256>}, {pipeline_mode = #tpu.pipeline_mode<synchronous>, transform_indices = @transform_2, window_bounds = array<i64: 8192, 256>}, {pipeline_mode = #tpu.pipeline_mode<synchronous>, transform_indices = @transform_3, window_bounds = array<i64: 2048>}, {pipeline_mode = #tpu.pipeline_mode<synchronous>, transform_indices = @transform_4, window_bounds = array<i64: 688>}, {pipeline_mode = #tpu.pipeline_mode<synchronous>, transform_indices = @transform_5, window_bounds = array<i64: 1360>}, {pipeline_mode = #tpu.pipeline_mode<synchronous>, transform_indices = @transform_6, window_bounds = array<i64: 1376>}, {pipeline_mode = #tpu.pipeline_mode<synchronous>, transform_indices = @transform_7, window_bounds = array<i64: 672>}, {pipeline_mode = #tpu.pipeline_mode<synchronous>, transform_indices = @transform_8, window_bounds = array<i64: 2048>}, {transform_indices = @transform_9, window_bounds = array<i64: 1, 1, 512>}, {pipeline_mode = #tpu.pipeline_mode<synchronous>, transform_indices = @transform_10, window_bounds = array<i64: 1, 1>}]} {
    %get3A = arith.constant 0 : index
    %get3A_0 = vector.load %arg1[%get3A] : memref<512xf32, #tpu.memory_space<vmem>>, vector<512xf32>
    %get3A_1 = arith.constant 0 : index
    %get3A_2 = arith.constant 0 : index
    %get3A_3 = vector.load %arg2[%get3A_1, %get3A_2] : memref<512x256xf32, #tpu.memory_space<vmem>>, vector<512x256xf32>
    %mul3A = arith.constant 2.000000e+00 : f32
    %mul3A_4 = vector.broadcast %mul3A : f32 to vector<512x256xf32>
    %mul3A_5 = arith.mulf %get3A_3, %mul3A_4 : vector<512x256xf32>
    %convert_element_type3A = arith.truncf %mul3A_5 : vector<512x256xf32> to vector<512x256xbf16>
    %get3A_6 = arith.constant 0 : index
    %get3A_7 = arith.constant 0 : index
    %get3A_8 = vector.load %arg3[%get3A_6, %get3A_7] : memref<8192x256xf32, #tpu.memory_space<vmem>>, vector<2048x256xf32>
    %get3A_9 = arith.constant 0 : index
    %get3A_10 = vector.load %arg4[%get3A_9] : memref<2048xf32, #tpu.memory_space<vmem>>, vector<2048xf32>
    %dot_general3A = arith.constant dense<0.000000e+00> : vector<512x2048xf32>
    %dot_general3A_11 = tpu.matmul %convert_element_type3A, %get3A_8, %dot_general3A {dimension_numbers = #tpu.dot_dimension_numbers<[1], [1], [0], [0], [0, 0, 1, 0], [], []>, transpose_lhs_hint = false} : vector<512x256xbf16>, vector<2048x256xf32>, vector<512x2048xf32> -> vector<512x2048xf32>
    %broadcast_in_dim3A = vector.shape_cast %get3A_0 : vector<512xf32> to vector<512x1xf32>
    %sub3A = vector.broadcast %broadcast_in_dim3A : vector<512x1xf32> to vector<512x2048xf32>
    %sub3A_12 = arith.subf %sub3A, %dot_general3A_11 : vector<512x2048xf32>
    %broadcast_in_dim3A_13 = vector.shape_cast %get3A_10 : vector<2048xf32> to vector<1x2048xf32>
    %add3A = vector.broadcast %broadcast_in_dim3A_13 : vector<1x2048xf32> to vector<512x2048xf32>
    %add3A_14 = arith.addf %sub3A_12, %add3A : vector<512x2048xf32>
    %reduce_min3A = arith.constant dense<0x7F800000> : vector<512xf32>
    %reduce_min3A_15 = vector.multi_reduction <minimumf>, %add3A_14, %reduce_min3A [1] : vector<512x2048xf32> to vector<512xf32>
    %iota3A = tpu.iota {dimensions = array<i32: 1>} : vector<512x2048xi32>
    %add3A_16 = arith.constant 0 : i32
    %add3A_17 = vector.broadcast %add3A_16 : i32 to vector<512x2048xi32>
    %add3A_18 = arith.addi %iota3A, %add3A_17 : vector<512x2048xi32>
    %broadcast_in_dim3A_19 = vector.shape_cast %reduce_min3A_15 : vector<512xf32> to vector<512x1xf32>
    %eq3A = vector.broadcast %broadcast_in_dim3A_19 : vector<512x1xf32> to vector<512x2048xf32>
    %eq3A_20 = arith.cmpf oeq, %add3A_14, %eq3A : vector<512x2048xf32>
    %jit3A = arith.constant 8192 : i32
    %broadcast_in_dim3A_21 = vector.broadcast %jit3A : i32 to vector<512x2048xi32>
    %select_n3A = arith.select %eq3A_20, %add3A_18, %broadcast_in_dim3A_21 : vector<512x2048xi1>, vector<512x2048xi32>
    %reduce_min3A_22 = arith.constant dense<2147483647> : vector<512xi32>
    %reduce_min3A_23 = vector.multi_reduction <minsi>, %select_n3A, %reduce_min3A_22 [1] : vector<512x2048xi32> to vector<512xi32>
    %get3A_24 = arith.constant 2048 : index
    %get3A_25 = arith.constant 0 : index
    %get3A_26 = vector.load %arg3[%get3A_24, %get3A_25] : memref<8192x256xf32, #tpu.memory_space<vmem>>, vector<688x256xf32>
    %get3A_27 = arith.constant 0 : index
    %get3A_28 = vector.load %arg5[%get3A_27] : memref<688xf32, #tpu.memory_space<vmem>>, vector<688xf32>
    %dot_general3A_29 = arith.constant dense<0.000000e+00> : vector<512x688xf32>
    %dot_general3A_30 = tpu.matmul %convert_element_type3A, %get3A_26, %dot_general3A_29 {dimension_numbers = #tpu.dot_dimension_numbers<[1], [1], [0], [0], [0, 0, 1, 0], [], []>, transpose_lhs_hint = false} : vector<512x256xbf16>, vector<688x256xf32>, vector<512x688xf32> -> vector<512x688xf32>
    %broadcast_in_dim3A_31 = vector.shape_cast %get3A_0 : vector<512xf32> to vector<512x1xf32>
    %sub3A_32 = vector.broadcast %broadcast_in_dim3A_31 : vector<512x1xf32> to vector<512x688xf32>
    %sub3A_33 = arith.subf %sub3A_32, %dot_general3A_30 : vector<512x688xf32>
    %broadcast_in_dim3A_34 = vector.shape_cast %get3A_28 : vector<688xf32> to vector<1x688xf32>
    %add3A_35 = vector.broadcast %broadcast_in_dim3A_34 : vector<1x688xf32> to vector<512x688xf32>
    %add3A_36 = arith.addf %sub3A_33, %add3A_35 : vector<512x688xf32>
    %reduce_min3A_37 = arith.constant dense<0x7F800000> : vector<512xf32>
    %reduce_min3A_38 = vector.multi_reduction <minimumf>, %add3A_36, %reduce_min3A_37 [1] : vector<512x688xf32> to vector<512xf32>
    %iota3A_39 = tpu.iota {dimensions = array<i32: 1>} : vector<512x688xi32>
    %add3A_40 = arith.constant 2048 : i32
    %add3A_41 = vector.broadcast %add3A_40 : i32 to vector<512x688xi32>
    %add3A_42 = arith.addi %iota3A_39, %add3A_41 : vector<512x688xi32>
    %broadcast_in_dim3A_43 = vector.shape_cast %reduce_min3A_38 : vector<512xf32> to vector<512x1xf32>
    %eq3A_44 = vector.broadcast %broadcast_in_dim3A_43 : vector<512x1xf32> to vector<512x688xf32>
    %eq3A_45 = arith.cmpf oeq, %add3A_36, %eq3A_44 : vector<512x688xf32>
    %jit3A_46 = arith.constant 8192 : i32
    %broadcast_in_dim3A_47 = vector.broadcast %jit3A_46 : i32 to vector<512x688xi32>
    %select_n3A_48 = arith.select %eq3A_45, %add3A_42, %broadcast_in_dim3A_47 : vector<512x688xi1>, vector<512x688xi32>
    %reduce_min3A_49 = arith.constant dense<2147483647> : vector<512xi32>
    %reduce_min3A_50 = vector.multi_reduction <minsi>, %select_n3A_48, %reduce_min3A_49 [1] : vector<512x688xi32> to vector<512xi32>
    %lt3A = arith.cmpf olt, %reduce_min3A_38, %reduce_min3A_15 : vector<512xf32>
    %select_n3A_51 = arith.select %lt3A, %reduce_min3A_50, %reduce_min3A_23 : vector<512xi1>, vector<512xi32>
    %min3A = arith.minimumf %reduce_min3A_15, %reduce_min3A_38 : vector<512xf32>
    %get3A_52 = arith.constant 2736 : index
    %get3A_53 = arith.constant 0 : index
    %get3A_54 = vector.load %arg3[%get3A_52, %get3A_53] : memref<8192x256xf32, #tpu.memory_space<vmem>>, vector<1360x256xf32>
    %get3A_55 = arith.constant 0 : index
    %get3A_56 = vector.load %arg6[%get3A_55] : memref<1360xf32, #tpu.memory_space<vmem>>, vector<1360xf32>
    %dot_general3A_57 = arith.constant dense<0.000000e+00> : vector<512x1360xf32>
    %dot_general3A_58 = tpu.matmul %convert_element_type3A, %get3A_54, %dot_general3A_57 {dimension_numbers = #tpu.dot_dimension_numbers<[1], [1], [0], [0], [0, 0, 1, 0], [], []>, transpose_lhs_hint = false} : vector<512x256xbf16>, vector<1360x256xf32>, vector<512x1360xf32> -> vector<512x1360xf32>
    %broadcast_in_dim3A_59 = vector.shape_cast %get3A_0 : vector<512xf32> to vector<512x1xf32>
    %sub3A_60 = vector.broadcast %broadcast_in_dim3A_59 : vector<512x1xf32> to vector<512x1360xf32>
    %sub3A_61 = arith.subf %sub3A_60, %dot_general3A_58 : vector<512x1360xf32>
    %broadcast_in_dim3A_62 = vector.shape_cast %get3A_56 : vector<1360xf32> to vector<1x1360xf32>
    %add3A_63 = vector.broadcast %broadcast_in_dim3A_62 : vector<1x1360xf32> to vector<512x1360xf32>
    %add3A_64 = arith.addf %sub3A_61, %add3A_63 : vector<512x1360xf32>
    %reduce_min3A_65 = arith.constant dense<0x7F800000> : vector<512xf32>
    %reduce_min3A_66 = vector.multi_reduction <minimumf>, %add3A_64, %reduce_min3A_65 [1] : vector<512x1360xf32> to vector<512xf32>
    %iota3A_67 = tpu.iota {dimensions = array<i32: 1>} : vector<512x1360xi32>
    %add3A_68 = arith.constant 2736 : i32
    %add3A_69 = vector.broadcast %add3A_68 : i32 to vector<512x1360xi32>
    %add3A_70 = arith.addi %iota3A_67, %add3A_69 : vector<512x1360xi32>
    %broadcast_in_dim3A_71 = vector.shape_cast %reduce_min3A_66 : vector<512xf32> to vector<512x1xf32>
    %eq3A_72 = vector.broadcast %broadcast_in_dim3A_71 : vector<512x1xf32> to vector<512x1360xf32>
    %eq3A_73 = arith.cmpf oeq, %add3A_64, %eq3A_72 : vector<512x1360xf32>
    %jit3A_74 = arith.constant 8192 : i32
    %broadcast_in_dim3A_75 = vector.broadcast %jit3A_74 : i32 to vector<512x1360xi32>
    %select_n3A_76 = arith.select %eq3A_73, %add3A_70, %broadcast_in_dim3A_75 : vector<512x1360xi1>, vector<512x1360xi32>
    %reduce_min3A_77 = arith.constant dense<2147483647> : vector<512xi32>
    %reduce_min3A_78 = vector.multi_reduction <minsi>, %select_n3A_76, %reduce_min3A_77 [1] : vector<512x1360xi32> to vector<512xi32>
    %get3A_79 = arith.constant 4096 : index
    %get3A_80 = arith.constant 0 : index
    %get3A_81 = vector.load %arg3[%get3A_79, %get3A_80] : memref<8192x256xf32, #tpu.memory_space<vmem>>, vector<1376x256xf32>
    %get3A_82 = arith.constant 0 : index
    %get3A_83 = vector.load %arg7[%get3A_82] : memref<1376xf32, #tpu.memory_space<vmem>>, vector<1376xf32>
    %dot_general3A_84 = arith.constant dense<0.000000e+00> : vector<512x1376xf32>
    %dot_general3A_85 = tpu.matmul %convert_element_type3A, %get3A_81, %dot_general3A_84 {dimension_numbers = #tpu.dot_dimension_numbers<[1], [1], [0], [0], [0, 0, 1, 0], [], []>, transpose_lhs_hint = false} : vector<512x256xbf16>, vector<1376x256xf32>, vector<512x1376xf32> -> vector<512x1376xf32>
    %broadcast_in_dim3A_86 = vector.shape_cast %get3A_0 : vector<512xf32> to vector<512x1xf32>
    %sub3A_87 = vector.broadcast %broadcast_in_dim3A_86 : vector<512x1xf32> to vector<512x1376xf32>
    %sub3A_88 = arith.subf %sub3A_87, %dot_general3A_85 : vector<512x1376xf32>
    %broadcast_in_dim3A_89 = vector.shape_cast %get3A_83 : vector<1376xf32> to vector<1x1376xf32>
    %add3A_90 = vector.broadcast %broadcast_in_dim3A_89 : vector<1x1376xf32> to vector<512x1376xf32>
    %add3A_91 = arith.addf %sub3A_88, %add3A_90 : vector<512x1376xf32>
    %reduce_min3A_92 = arith.constant dense<0x7F800000> : vector<512xf32>
    %reduce_min3A_93 = vector.multi_reduction <minimumf>, %add3A_91, %reduce_min3A_92 [1] : vector<512x1376xf32> to vector<512xf32>
    %iota3A_94 = tpu.iota {dimensions = array<i32: 1>} : vector<512x1376xi32>
    %add3A_95 = arith.constant 4096 : i32
    %add3A_96 = vector.broadcast %add3A_95 : i32 to vector<512x1376xi32>
    %add3A_97 = arith.addi %iota3A_94, %add3A_96 : vector<512x1376xi32>
    %broadcast_in_dim3A_98 = vector.shape_cast %reduce_min3A_93 : vector<512xf32> to vector<512x1xf32>
    %eq3A_99 = vector.broadcast %broadcast_in_dim3A_98 : vector<512x1xf32> to vector<512x1376xf32>
    %eq3A_100 = arith.cmpf oeq, %add3A_91, %eq3A_99 : vector<512x1376xf32>
    %jit3A_101 = arith.constant 8192 : i32
    %broadcast_in_dim3A_102 = vector.broadcast %jit3A_101 : i32 to vector<512x1376xi32>
    %select_n3A_103 = arith.select %eq3A_100, %add3A_97, %broadcast_in_dim3A_102 : vector<512x1376xi1>, vector<512x1376xi32>
    %reduce_min3A_104 = arith.constant dense<2147483647> : vector<512xi32>
    %reduce_min3A_105 = vector.multi_reduction <minsi>, %select_n3A_103, %reduce_min3A_104 [1] : vector<512x1376xi32> to vector<512xi32>
    %lt3A_106 = arith.cmpf olt, %reduce_min3A_93, %reduce_min3A_66 : vector<512xf32>
    %select_n3A_107 = arith.select %lt3A_106, %reduce_min3A_105, %reduce_min3A_78 : vector<512xi1>, vector<512xi32>
    %min3A_108 = arith.minimumf %reduce_min3A_66, %reduce_min3A_93 : vector<512xf32>
    %get3A_109 = arith.constant 5472 : index
    %get3A_110 = arith.constant 0 : index
    %get3A_111 = vector.load %arg3[%get3A_109, %get3A_110] : memref<8192x256xf32, #tpu.memory_space<vmem>>, vector<672x256xf32>
    %get3A_112 = arith.constant 0 : index
    %get3A_113 = vector.load %arg8[%get3A_112] : memref<672xf32, #tpu.memory_space<vmem>>, vector<672xf32>
    %dot_general3A_114 = arith.constant dense<0.000000e+00> : vector<512x672xf32>
    %dot_general3A_115 = tpu.matmul %convert_element_type3A, %get3A_111, %dot_general3A_114 {dimension_numbers = #tpu.dot_dimension_numbers<[1], [1], [0], [0], [0, 0, 1, 0], [], []>, transpose_lhs_hint = false} : vector<512x256xbf16>, vector<672x256xf32>, vector<512x672xf32> -> vector<512x672xf32>
    %broadcast_in_dim3A_116 = vector.shape_cast %get3A_0 : vector<512xf32> to vector<512x1xf32>
    %sub3A_117 = vector.broadcast %broadcast_in_dim3A_116 : vector<512x1xf32> to vector<512x672xf32>
    %sub3A_118 = arith.subf %sub3A_117, %dot_general3A_115 : vector<512x672xf32>
    %broadcast_in_dim3A_119 = vector.shape_cast %get3A_113 : vector<672xf32> to vector<1x672xf32>
    %add3A_120 = vector.broadcast %broadcast_in_dim3A_119 : vector<1x672xf32> to vector<512x672xf32>
    %add3A_121 = arith.addf %sub3A_118, %add3A_120 : vector<512x672xf32>
    %reduce_min3A_122 = arith.constant dense<0x7F800000> : vector<512xf32>
    %reduce_min3A_123 = vector.multi_reduction <minimumf>, %add3A_121, %reduce_min3A_122 [1] : vector<512x672xf32> to vector<512xf32>
    %iota3A_124 = tpu.iota {dimensions = array<i32: 1>} : vector<512x672xi32>
    %add3A_125 = arith.constant 5472 : i32
    %add3A_126 = vector.broadcast %add3A_125 : i32 to vector<512x672xi32>
    %add3A_127 = arith.addi %iota3A_124, %add3A_126 : vector<512x672xi32>
    %broadcast_in_dim3A_128 = vector.shape_cast %reduce_min3A_123 : vector<512xf32> to vector<512x1xf32>
    %eq3A_129 = vector.broadcast %broadcast_in_dim3A_128 : vector<512x1xf32> to vector<512x672xf32>
    %eq3A_130 = arith.cmpf oeq, %add3A_121, %eq3A_129 : vector<512x672xf32>
    %jit3A_131 = arith.constant 8192 : i32
    %broadcast_in_dim3A_132 = vector.broadcast %jit3A_131 : i32 to vector<512x672xi32>
    %select_n3A_133 = arith.select %eq3A_130, %add3A_127, %broadcast_in_dim3A_132 : vector<512x672xi1>, vector<512x672xi32>
    %reduce_min3A_134 = arith.constant dense<2147483647> : vector<512xi32>
    %reduce_min3A_135 = vector.multi_reduction <minsi>, %select_n3A_133, %reduce_min3A_134 [1] : vector<512x672xi32> to vector<512xi32>
    %get3A_136 = arith.constant 6144 : index
    %get3A_137 = arith.constant 0 : index
    %get3A_138 = vector.load %arg3[%get3A_136, %get3A_137] : memref<8192x256xf32, #tpu.memory_space<vmem>>, vector<2048x256xf32>
    %get3A_139 = arith.constant 0 : index
    %get3A_140 = vector.load %arg9[%get3A_139] : memref<2048xf32, #tpu.memory_space<vmem>>, vector<2048xf32>
    %dot_general3A_141 = arith.constant dense<0.000000e+00> : vector<512x2048xf32>
    %dot_general3A_142 = tpu.matmul %convert_element_type3A, %get3A_138, %dot_general3A_141 {dimension_numbers = #tpu.dot_dimension_numbers<[1], [1], [0], [0], [0, 0, 1, 0], [], []>, transpose_lhs_hint = false} : vector<512x256xbf16>, vector<2048x256xf32>, vector<512x2048xf32> -> vector<512x2048xf32>
    %broadcast_in_dim3A_143 = vector.shape_cast %get3A_0 : vector<512xf32> to vector<512x1xf32>
    %sub3A_144 = vector.broadcast %broadcast_in_dim3A_143 : vector<512x1xf32> to vector<512x2048xf32>
    %sub3A_145 = arith.subf %sub3A_144, %dot_general3A_142 : vector<512x2048xf32>
    %broadcast_in_dim3A_146 = vector.shape_cast %get3A_140 : vector<2048xf32> to vector<1x2048xf32>
    %add3A_147 = vector.broadcast %broadcast_in_dim3A_146 : vector<1x2048xf32> to vector<512x2048xf32>
    %add3A_148 = arith.addf %sub3A_145, %add3A_147 : vector<512x2048xf32>
    %reduce_min3A_149 = arith.constant dense<0x7F800000> : vector<512xf32>
    %reduce_min3A_150 = vector.multi_reduction <minimumf>, %add3A_148, %reduce_min3A_149 [1] : vector<512x2048xf32> to vector<512xf32>
    %iota3A_151 = tpu.iota {dimensions = array<i32: 1>} : vector<512x2048xi32>
    %add3A_152 = arith.constant 6144 : i32
    %add3A_153 = vector.broadcast %add3A_152 : i32 to vector<512x2048xi32>
    %add3A_154 = arith.addi %iota3A_151, %add3A_153 : vector<512x2048xi32>
    %broadcast_in_dim3A_155 = vector.shape_cast %reduce_min3A_150 : vector<512xf32> to vector<512x1xf32>
    %eq3A_156 = vector.broadcast %broadcast_in_dim3A_155 : vector<512x1xf32> to vector<512x2048xf32>
    %eq3A_157 = arith.cmpf oeq, %add3A_148, %eq3A_156 : vector<512x2048xf32>
    %jit3A_158 = arith.constant 8192 : i32
    %broadcast_in_dim3A_159 = vector.broadcast %jit3A_158 : i32 to vector<512x2048xi32>
    %select_n3A_160 = arith.select %eq3A_157, %add3A_154, %broadcast_in_dim3A_159 : vector<512x2048xi1>, vector<512x2048xi32>
    %reduce_min3A_161 = arith.constant dense<2147483647> : vector<512xi32>
    %reduce_min3A_162 = vector.multi_reduction <minsi>, %select_n3A_160, %reduce_min3A_161 [1] : vector<512x2048xi32> to vector<512xi32>
    %lt3A_163 = arith.cmpf olt, %reduce_min3A_150, %reduce_min3A_123 : vector<512xf32>
    %select_n3A_164 = arith.select %lt3A_163, %reduce_min3A_162, %reduce_min3A_135 : vector<512xi1>, vector<512xi32>
    %min3A_165 = arith.minimumf %reduce_min3A_123, %reduce_min3A_150 : vector<512xf32>
    %convert_element_type3A_166 = arith.truncf %min3A : vector<512xf32> to vector<512xbf16>
    %convert_element_type3A_167 = arith.extf %convert_element_type3A_166 : vector<512xbf16> to vector<512xf32>
    %le3A = arith.cmpf ole, %convert_element_type3A_167, %min3A_108 : vector<512xf32>
    %select_n3A_168 = arith.select %le3A, %select_n3A_51, %select_n3A_107 : vector<512xi1>, vector<512xi32>
    %select_n3A_169 = arith.select %le3A, %min3A, %min3A_108 : vector<512xi1>, vector<512xf32>
    %select_n3A_170 = arith.select %le3A, %convert_element_type3A_167, %min3A_108 : vector<512xi1>, vector<512xf32>
    %convert_element_type3A_171 = arith.truncf %select_n3A_170 : vector<512xf32> to vector<512xbf16>
    %convert_element_type3A_172 = arith.extf %convert_element_type3A_171 : vector<512xbf16> to vector<512xf32>
    %le3A_173 = arith.cmpf ole, %convert_element_type3A_172, %min3A_165 : vector<512xf32>
    %select_n3A_174 = arith.select %le3A_173, %select_n3A_168, %select_n3A_164 : vector<512xi1>, vector<512xi32>
    %select_n3A_175 = arith.select %le3A_173, %select_n3A_169, %min3A_165 : vector<512xi1>, vector<512xf32>
    %swap3A = arith.constant 0 : index
    %swap3A_176 = arith.constant 0 : index
    %swap3A_177 = arith.constant 0 : index
    %swap3A_178 = vector.load %arg10[%swap3A, %swap3A_176, %swap3A_177] : memref<1x1x512xi32, #tpu.memory_space<vmem>>, vector<1x1x512xi32>
    %swap3A_179 = vector.shape_cast %swap3A_178 : vector<1x1x512xi32> to vector<512xi32>
    %swap3A_180 = vector.shape_cast %select_n3A_174 : vector<512xi32> to vector<1x1x512xi32>
    tpu.vector_store %arg10[%swap3A, %swap3A_176, %swap3A_177], %swap3A_180 {strides = array<i32>} : memref<1x1x512xi32, #tpu.memory_space<vmem>>, vector<1x1x512xi32>,
    %eq3A_181 = arith.constant 0 : i32
    %eq3A_182 = arith.cmpi eq, %arg0, %eq3A_181 : i32
    %convert_element_type3A_183 = arith.extui %eq3A_182 : i1 to i32
    %cond3A = arith.constant 0 : i32
    %cond3A_184 = arith.cmpi ne, %convert_element_type3A_183, %cond3A : i32
    scf.if %cond3A_184 {
      %broadcast_in_dim3A_196 = arith.constant 0.000000e+00 : f32
      %broadcast_in_dim3A_197 = vector.broadcast %broadcast_in_dim3A_196 : f32 to vector<1x1xf32>
      %swap3A_198 = arith.constant 0 : index
      %swap3A_199 = arith.constant 0 : index
      %swap3A_200 = vector.load %arg11[%swap3A_198, %swap3A_199] : memref<1x1xf32, #tpu.memory_space<vmem>>, vector<1x1xf32>
      tpu.vector_store %arg11[%swap3A_198, %swap3A_199], %broadcast_in_dim3A_197 {strides = array<i32>} : memref<1x1xf32, #tpu.memory_space<vmem>>, vector<1x1xf32>,
    } else {
    }
    %get3A_185 = arith.constant 0 : index
    %get3A_186 = arith.constant 0 : index
    %get3A_187 = vector.load %arg11[%get3A_185, %get3A_186] : memref<1x1xf32, #tpu.memory_space<vmem>>, vector<1x1xf32>
    %reduce_sum3A = vector.shape_cast %select_n3A_175 : vector<512xf32> to vector<1x512xf32>
    %reduce_sum3A_188 = arith.constant dense<0.000000e+00> : vector<1xf32>
    %reduce_sum3A_189 = vector.multi_reduction <add>, %reduce_sum3A, %reduce_sum3A_188 [1] : vector<1x512xf32> to vector<1xf32>
    %reduce_sum3A_190 = vector.shape_cast %reduce_sum3A_189 : vector<1xf32> to vector<1x1xf32>
    %reduce_sum3A_191 = vector.extract %reduce_sum3A_190[0, 0] : f32 from vector<1x1xf32>
    %reshape3A = vector.broadcast %reduce_sum3A_191 : f32 to vector<1x1xf32>
    %add3A_192 = arith.addf %get3A_187, %reshape3A : vector<1x1xf32>
    %swap3A_193 = arith.constant 0 : index
    %swap3A_194 = arith.constant 0 : index
    %swap3A_195 = vector.load %arg11[%swap3A_193, %swap3A_194] : memref<1x1xf32, #tpu.memory_space<vmem>>, vector<1x1xf32>
    tpu.vector_store %arg11[%swap3A_193, %swap3A_194], %add3A_192 {strides = array<i32>} : memref<1x1xf32, #tpu.memory_space<vmem>>, vector<1x1xf32>,
    return
  }
  func.func @transform_0(%arg0: i32) -> i32 {
    %c0_i32 = arith.constant 0 : i32
    return %arg0 : i32
  }
  func.func @transform_1(%arg0: i32) -> (i32, i32) {
    %c0_i32 = arith.constant 0 : i32
    %c0_i32_0 = arith.constant 0 : i32
    return %arg0, %c0_i32 : i32, i32
  }
  func.func @transform_2(%arg0: i32) -> (i32, i32) {
    %c0_i32 = arith.constant 0 : i32
    %c0_i32_0 = arith.constant 0 : i32
    %c0_i32_1 = arith.constant 0 : i32
    return %c0_i32, %c0_i32_0 : i32, i32
  }
  func.func @transform_3(%arg0: i32) -> i32 {
    %c0_i32 = arith.constant 0 : i32
    %c0_i32_0 = arith.constant 0 : i32
    return %c0_i32 : i32
  }
  func.func @transform_4(%arg0: i32) -> i32 {
    %c0_i32 = arith.constant 0 : i32
    %c0_i32_0 = arith.constant 0 : i32
    return %c0_i32 : i32
  }
  func.func @transform_5(%arg0: i32) -> i32 {
    %c0_i32 = arith.constant 0 : i32
    %c0_i32_0 = arith.constant 0 : i32
    return %c0_i32 : i32
  }
  func.func @transform_6(%arg0: i32) -> i32 {
    %c0_i32 = arith.constant 0 : i32
    %c0_i32_0 = arith.constant 0 : i32
    return %c0_i32 : i32
  }
  func.func @transform_7(%arg0: i32) -> i32 {
    %c0_i32 = arith.constant 0 : i32
    %c0_i32_0 = arith.constant 0 : i32
    return %c0_i32 : i32
  }
  func.func @transform_8(%arg0: i32) -> i32 {
    %c0_i32 = arith.constant 0 : i32
    %c0_i32_0 = arith.constant 0 : i32
    return %c0_i32 : i32
  }
  func.func @transform_9(%arg0: i32) -> (i32, i32, i32) {
    %c0_i32 = arith.constant 0 : i32
    %c0_i32_0 = arith.constant 0 : i32
    %c0_i32_1 = arith.constant 0 : i32
    return %arg0, %c0_i32, %c0_i32_0 : i32, i32, i32
  }
  func.func @transform_10(%arg0: i32) -> (i32, i32) {
    %c0_i32 = arith.constant 0 : i32
    %c0_i32_0 = arith.constant 0 : i32
    %c0_i32_1 = arith.constant 0 : i32
    return %c0_i32, %c0_i32_0 : i32, i32
  }
}

</mosaic_0001>

<sc_bundles>
// kernel: kernel.4.cloned.1.call-start
scs
__scs_entry_jumppad:
0x0: {  	(pc) =	sbr.rel $0x88, $3  }
0x1: {  	(tag) =	ssettag $0x0;
	lr =	simm.s32 $0x1  }
0x2: {  	[smem:$0x3F9F] =	sst lr;
	_ =	strace $0xD0000000  }
0x3: {  	_ = 	snop  }
0x4: {  	_ = 	snop  }
0x5: {  	_ = 	snop  }
0x6: {  	_ = 	snop  }
0x7: {  	_ = 	snop  }
__scs_overlays_trampoline_lowered:
0x8: {  	[smem:$0x3FAE] =	sst s0  }
0x9: {  	[smem:$0x3FAF] =	sst s1  }
0xa: {  	[smem:$0x3FB0] =	sst s2  }
0xb: {  	[smem:$0x3FB1] =	sst s3  }
0xc: {  	[smem:$0x3FB2] =	sst s4  }
0xd: {  	[smem:$0x3FB3] =	sst s5  }
0xe: {  	[smem:$0x3FB4] =	sst s6  }
0xf: {  	[smem:$0x3FB5] =	sst s7  }
0x10: {  	[smem:$0x3FB6] =	sst s8  }
0x11: {  	[smem:$0x3FB7] =	sst s9;
	s0 =	simm.s32 @!p0 $0x0  }
0x12: {  	s1 =	sld [smem:$0x3F9D];
	s0 =	simm.s32 @p0 $0x1  }
0x13: {  	[smem:$0x3FB8] =	sst s0;
	s0 =	simm.s32 @!p1 $0x0  }
0x14: {  	s2 =	sld [smem:$0x3F9C];
	s0 =	simm.s32 @p1 $0x1  }
0x15: {  	[smem:$0x3FB9] =	sst s0;
	s0 =	simm.s32 @!p2 $0x0  }
0x16: {  	s3 =	sld [smem:$0x3FDB];
	s0 =	simm.s32 @p2 $0x1  }
0x17: {  	s4 =	simm.s32 $0x1BF5;
	[smem:$0x3FBB] =	sst s0  }
0x18: {  	s0 =	sld [smem:$0x3F9E];
	_ =	swait.ge [sflag:s4], $0x0  }
0x19: {  	s7 =	sld [smem:$0x3F9F]  }
0x1a: {  	s8 =	sadd.s32 $0xFFFFE003, lr  }
0x1b: {  	s9 =	sadd.s32 $0xFFFFFEF7, lr;
	s5 =	simm.s32 $0xFFFFFFFF;
	p2 =	slt.u32 s8, $0xFFFFF086  }
0x1c: {  	p1 =	slt.u32 s9, $0xF7A;
	s5 =	simm.s32 @!p2 $0x0  }
0x1d: {  	s5 =	simm.s32 @p1 $0x1;
	p0 =	seq.s32 s7, s2  }
0x1e: {  	s7 =	smul.u32 @!p0 $0xF7A, s2;
	p2 =	seq.s32 @!p0 s5, $0x0  }
0x1f: {  	s9 =	smul.u32 $0xF7A, s1;
	s8 =	simm.s32 @!p0 $0x1BF5;
	p2 =	por !p2, p0  }
0x20: {  	[sflag:s8] =	ssyncset.s32 @!p0 $0xFFFFF086;
	s6 =	sadd.s32 @!p0 s3, s7;
	s7 =	simm.s32 @!p0 $0x108  }
0x21: {  	s3 =	sadd.s32 s3, s9;
	s6 =	sadd.s32 @!p0 $0x88, s6;
	s7 =	simm.s32 @p2 $0x1082  }
0x22: {  	[simem:s7], [sflag:s8] =	dma.local @!p0 [hbm:s6], $0xF7A  }
0x23: {  	s9 =	sor.u32 $0xD0000000, s2;
	s6 =	simm.s32 $0x108;
	_ =	swait.ge @!p0 [sflag:s8], $0x0  }
0x24: {  	s3 =	sadd.s32 $0x88, s3;
	s6 =	simm.s32 @!p1 $0x1082;
	[sflag:s4] =	ssyncset.s32 $0xFFFFF086  }
0x25: {  	[simem:s6], [sflag:s4] =	dma.local [hbm:s3], $0xF7A  }
0x26: {  	[smem:$0x3F9F] =	sst s1;
	(tag) =	ssettag s2;
	_ =	strace s9  }
0x27: {  	s1 =	sld [smem:$0x3FAF]  }
0x28: {  	s2 =	sld [smem:$0x3FB0]  }
0x29: {  	s4 =	sld [smem:$0x3FB2]  }
0x2a: {  	p0 =	seq.s32 s5, $0x0;
	s5 =	sld [smem:$0x3FB3]  }
0x2b: {  	s6 =	sld [smem:$0x3FB4]  }
0x2c: {  	s7 =	sld [smem:$0x3FB5]  }
0x2d: {  	s3 =	simm.s32 $0x108;
	s8 =	sld [smem:$0x3FB6]  }
0x2e: {  	s3 =	simm.s32 @!p0 $0x1082;
	s9 =	sld [smem:$0x3FB7]  }
0x2f: {  	lr =	sadd.s32 s0, s3;
	s0 =	sld [smem:$0x3FAE]  }
0x30: {  	s3 =	sld [smem:$0x3FB1]  }
0x31: {  	[smem:$0x3FBA] =	sst s10  }
0x32: {  	s10 =	sld [smem:$0x3FB8];
	_ =	sdelay $0x3  }
0x33: {  	p0 =	seq.s32 s10, $0x1;
	s10 =	sld [smem:$0x3FBA];
	_ =	sdelay $0x3  }
0x34: {  	[smem:$0x3FBA] =	sst s10  }
0x35: {  	s10 =	sld [smem:$0x3FB9];
	_ =	sdelay $0x3  }
0x36: {  	p1 =	seq.s32 s10, $0x1;
	s10 =	sld [smem:$0x3FBA];
	_ =	sdelay $0x3  }
0x37: {  	[smem:$0x3FBA] =	sst s10  }
0x38: {  	s10 =	sld [smem:$0x3FBB]  }
0x39: {  	_ = 	snop;
	(pc) =	sbr.ind lr, $3  }
0x3a: {  	_ = 	snop  }
0x3b: {  	_ = 	snop  }
0x3c: {  	p2 =	seq.s32 s10, $0x1;
	s10 =	sld [smem:$0x3FBA]  }
0x3d: {  	_ =	shalt  }
0x3e: {  	_ =	shalt  }
0x3f: {  	_ =	shalt  }
0x40: {  	_ =	shalt  }
0x41: {  	_ =	shalt  }
0x42: {  	_ =	shalt  }
0x43: {  	_ =	shalt  }
0x44: {  	_ =	shalt  }
0x45: {  	_ =	shalt  }
0x46: {  	_ =	shalt  }
0x47: {  	_ =	shalt  }
0x48: {  	_ =	shalt  }
0x49: {  	_ =	shalt  }
0x4a: {  	_ =	shalt  }
0x4b: {  	_ =	shalt  }
0x4c: {  	_ =	shalt  }
0x4d: {  	_ =	shalt  }
0x4e: {  	_ =	shalt  }
0x4f: {  	_ =	shalt  }
0x50: {  	_ =	shalt  }
0x51: {  	_ =	shalt  }
0x52: {  	_ =	shalt  }
0x53: {  	_ =	shalt  }
0x54: {  	_ =	shalt  }
0x55: {  	_ =	shalt  }
0x56: {  	_ =	shalt  }
0x57: {  	_ =	shalt  }
0x58: {  	_ =	shalt  }
0x59: {  	_ =	shalt  }
0x5a: {  	_ =	shalt  }
0x5b: {  	_ =	shalt  }
0x5c: {  	_ =	shalt  }
0x5d: {  	_ =	shalt  }
0x5e: {  	_ =	shalt  }
0x5f: {  	_ =	shalt  }
0x60: {  	_ =	shalt  }
0x61: {  	_ =	shalt  }
0x62: {  	_ =	shalt  }
0x63: {  	_ =	shalt  }
0x64: {  	_ =	shalt  }
0x65: {  	_ =	shalt  }
0x66: {  	_ =	shalt  }
0x67: {  	_ =	shalt  }
0x68: {  	_ =	shalt  }
0x69: {  	_ =	shalt  }
0x6a: {  	_ =	shalt  }
0x6b: {  	_ =	shalt  }
0x6c: {  	_ =	shalt  }
0x6d: {  	_ =	shalt  }
0x6e: {  	_ =	shalt  }
0x6f: {  	_ =	shalt  }
0x70: {  	_ =	shalt  }
0x71: {  	_ =	shalt  }
0x72: {  	_ =	shalt  }
0x73: {  	_ =	shalt  }
0x74: {  	_ =	shalt  }
0x75: {  	_ =	shalt  }
0x76: {  	_ =	shalt  }
0x77: {  	_ =	shalt  }
0x78: {  	_ =	shalt  }
0x79: {  	_ =	shalt  }
0x7a: {  	_ =	shalt  }
0x7b: {  	_ =	shalt  }
0x7c: {  	_ =	shalt  }
0x7d: {  	_ =	shalt  }
0x7e: {  	_ =	shalt  }
0x7f: {  	_ =	shalt  }
0x80: {  	_ =	shalt  }
0x81: {  	_ =	shalt  }
0x82: {  	_ =	shalt  }
0x83: {  	_ =	shalt  }
0x84: {  	_ =	shalt  }
0x85: {  	_ =	shalt  }
0x86: {  	_ =	shalt  }
0x87: {  	_ =	shalt  }
.Lfunc_end0:
.L_simem_size_0:
called_computation_lowered:
.L_overlay_start_0:
0x88: {  	s2 =	sld [smem:$0x3FD9]  }
0x89: {  	s3 =	sld [smem:$0x3FFE];
	_ =	sdelay $0x1  }
0x8a: {  	s1 =	srdreg.scid  }
0x8b: {  	s0 =	sand.u32 $0x1, s1  }
0x8c: {  	s14 =	sshll.u32 s0, $0xA;
	s2 =	sadd.s32 s3, s2  }
0x8d: {  	s2 =	sadd.s32 s2, s14  }
0x8e: {  	[smem:$0x3FC6] =	sst s2  }
0x8f: {  	_ = 	snop  }
0x90: {  	s2 =	sld [smem:$0x3FD0];
	_ =	sdelay $0x2  }
0x91: {  	s4 =	simm.s32 $0xA;
	s5 =	simm.s32 $0x10;
	s15 =	sld [smem:$0x3FC8]  }
0x92: {  	[smem:s5], [sflag:s4] =	dma.local [hbm:s2], $0x1  }
0x93: {  	_ =	swait.eq [sflag:s4], $0x1  }
0x94: {  	[sflag:s4] =	ssyncset.done $0x0  }
0x95: {  	[sflag:s4] =	ssyncadd.s32 $0xFFFFFFFF  }
0x96: {  	s16 =	sld [smem:$0x10];
	(tm) =	ssettm $0x1  }
0x97: {  	s17 =	sld [smem:$0x3FFB];
	_ =	sdelay $0x3  }
0x98: {  	_ =	strace s17  }
0x99: {  	s4 =	sld [smem:$0x3FFC];
	_ =	sdelay $0x3  }
0x9a: {  	_ =	strace s4  }
0x9b: {  	s4 =	sld [smem:$0x3FFD];
	_ =	sdelay $0x3  }
0x9c: {  	_ =	strace s4  }
0x9d: {  	_ =	strace $0x8FFFFFFF  }
0x9e: {  	s18 =	sld [smem:$0x3FDB];
	_ =	sdelay $0x1  }
0x9f: {  	s19 =	simm.s32 $_scs_section_size  }
0xa0: {  	s6 =	simm.s32 $_size__tile_overlayer_lowered;
	s7 =	simm.s32 $_tile_overlayer_lowered  }
0xa1: {  	s22 =	simm.s32 $0x1BFF;
	s21 =	sshll.u32 s7, $0x1;
	s4 =	sadd.s32 s19, s18  }
0xa2: {  	s8 =	simm.s32 $0x0;
	s20 =	sshll.u32 s6, $0x1;
	s6 =	sadd.s32 s21, s4  }
0xa3: {  	[timem:s8], [sflag:s22] =	dma.local [hbm:s6], s20  }
0xa4: {  	_ =	swait.ge [sflag:s22], s20  }
0xa5: {  	s5 =	ssub.s32 $0x0, s20;
	[sflag:s22] =	ssyncset.done $0x0  }
0xa6: {  	[sflag:s22] =	ssyncadd.s32 s5;
	_ =	sdelay $0x1  }
0xa7: {  	s23 =	simm.s32 $0x1B8B  }
0xa8: {  	_ =	swait.ge [sflag:s23], $0x1  }
0xa9: {  	[sflag:s23] =	ssyncset.done $0x0  }
0xaa: {  	s25 =	simm.s32 $0x1B8E;
	s24 =	sld [smem:$0x3FFE];
	[sflag:s23] =	ssyncadd.s32 $0xFFFFFFFF  }
0xab: {  	s26 =	simm.s32 $execute0_lowered;
	[smem:$0x3FD2] =	sst s25  }
0xac: {  	s6 =	sshll.u32 s26, $0x1;
	_ =	strace $0x80000046;
	[dreg:$0x1] =	wrdreg $0xFFFFFFFF  }
0xad: {  	s28 =	simm.s32 $_size_execute0_lowered;
	s4 =	sadd.s32 s4, s6;
	[dreg:$0x0] =	wrdreg $0x0  }
0xae: {  	s6 =	sshll.u32 s28, $0x1;
	[dreg:$0x2] =	wrdreg s4  }
0xaf: {  	[dreg:$0x3] =	wrdreg s6  }
0xb0: {  	[dreg:$0x4] =	wrdreg $0xC0  }
0xb1: {  	_ =	task [dreg:s8], $0x5FFFF  }
0xb2: {  	[dreg:$0x1] =	wrdreg $0xFFFFFFFF  }
0xb3: {  	[dreg:$0x0] =	wrdreg $0x60  }
0xb4: {  	[dreg:$0x2] =	wrdreg s15  }
0xb5: {  	[dreg:$0x3] =	wrdreg s24  }
0xb6: {  	[dreg:$0x4] =	wrdreg s16  }
0xb7: {  	[dreg:$0x5] =	wrdreg $0x9  }
0xb8: {  	_ =	task.clear_ibuf [dreg:s8], $0x6FFFF;
	_ =	strace $0x90000046  }
0xb9: {  	s29 =	simm.s32 $0x9;
	_ =	strace $0x80000048  }
0xba: {  	_ =	swait.ge [sflag:s29], $0x1  }
0xbb: {  	[sflag:s29] =	ssyncadd.s32 $0xFFFFFFFF  }
0xbc: {  	_ =	strace $0x90000048  }
0xbd: {  	_ =	sfence  }
0xbe: {  	s30 =	sld [smem:$0x0];
	_ =	sdelay $0x2  }
0xbf: {  	s31 =	sshll.u32 s1, $0xD;
	s1 =	sshrl.u32 s1, $0x2  }
0xc0: {  	s3 =	sand.u32 $0x4000, s31;
	s1 =	sadd.s32 s1, s30  }
0xc1: {  	s0 =	sor.u32 s3, s0;
	s1 =	sshll.u32 s1, $0x11  }
0xc2: {  	s0 =	sor.u32 s1, s0  }
0xc3: {  	s0 =	sadd.s32 $0x8F2B, s0  }
0xc4: {  	[sflag:s0] =	ssyncadd.remote.s32 $0x1  }
0xc5: {  	_ =	sfence.sel $0xFFFF  }
0xc6: {  	[dreg:$0x0] =	wrdreg $0xFFFFFFFF;
	(pc) =	sbr.abs _section_cstart, $3  }
0xc7: {  	[dreg:$0x1] =	wrdreg $0xFFFFFFFF  }
0xc8: {  	_ =	task.clear_ibuf [dreg:s8], $0x2FFFF;
	_ =	strace $0x9FFFFFFF  }
0xc9: {  	(tm) =	ssettm $0x7FFFFFFF  }
tec
execute0_lowered:
.L_overlay_start_1:
0x0: {  	(tag) =	ssettag $0x1  }
0x1: {  	s1 =	rddreg [dreg:$0x0];
	s2 =	srdreg.scid  }
0x2: {  	s0 =	stileid.u32;
	s4 =	rddreg [dreg:$0x1]  }
0x3: {  	s5 =	rddreg [dreg:$0x2];
	s15 =	simm.s32 $0xA00;
	s16 =	simm.s32 $0x1200  }
0x4: {  	s17 =	simm.s32 $0x1A00;
	s2 =	sand.u32 $0x1, s2;
	s3 =	sshll.u32 s0, $0x1  }
0x5: {  	s18 =	simm.s32 $0x2200;
	s6 =	sor.u32 s2, s3;
	s3 =	simm.s32 $0x0  }
0x6: {  	s19 =	simm.s32 $0x2A00;
	s20 =	simm.s32 $0x3200;
	[smem:$0x7FF] =	sst s3  }
0x7: {  	s21 =	simm.s32 $0x3A00;
	_ =	strace $0x80000047;
	[dreg:$0x6] =	wrdreg s15  }
0x8: {  	s23 =	simm.s32 $0x4200;
	s24 =	simm.s32 $0x4A00;
	[dreg:$0x7] =	wrdreg s16  }
0x9: {  	s25 =	simm.s32 $0x5200;
	s26 =	simm.s32 $0x5A00;
	[dreg:$0x8] =	wrdreg s17  }
0xa: {  	s9 =	simm.s32 $0x6A00;
	s10 =	simm.s32 $0x7200;
	[dreg:$0x9] =	wrdreg s18  }
0xb: {  	s11 =	simm.s32 $0x7A00;
	s12 =	simm.s32 $0x8200;
	[dreg:$0xa] =	wrdreg s19  }
0xc: {  	s13 =	simm.s32 $0x8A00;
	s28 =	simm.s32 $0xFA00;
	[dreg:$0xb] =	wrdreg s20  }
0xd: {  	s29 =	simm.s32 $0x10200;
	s30 =	simm.s32 $0x10A00;
	[dreg:$0xc] =	wrdreg s21  }
0xe: {  	s31 =	simm.s32 $0x11200;
	s2 =	ssub.s32 $0x2, s2;
	[dreg:$0xd] =	wrdreg s23  }
0xf: {  	s7 =	sshll.u32 s6, $0x6;
	s6 =	smul.u32 $0x2400, s6;
	[dreg:$0xe] =	wrdreg s24  }
0x10: {  	s22 =	sshrl.u32 s2, $0x1;
	s4 =	sadd.s32 s7, s4;
	[dreg:$0xf] =	wrdreg s25  }
0x11: {  	s2 =	ssub.s32 s2, s22;
	[dreg:$0x10] =	wrdreg s26;
	s7 =	simm.s32 $0x1  }
0x12: {  	s15 =	simm.s32 $0x9A00;
	s16 =	simm.s32 $0xA200;
	s17 =	simm.s32 $0xAA00  }
0x13: {  	s18 =	simm.s32 $0xB200;
	s19 =	simm.s32 $0xBA00;
	s20 =	simm.s32 $0xC200  }
0x14: {  	s21 =	simm.s32 $0xCA00;
	s22 =	simm.s32 $0xD200;
	s23 =	simm.s32 $0xDA00  }
0x15: {  	s24 =	simm.s32 $0xE200;
	s25 =	simm.s32 $0xEA00;
	s4 =	sadd.s32 $0x200, s4  }
0x16: {  	v2 =	vlaneseq.u32;
	s26 =	simm.s32 $0xF200;
	s14 =	sadd.s32 s5, s6;
	[dreg:$0x4] =	wrdreg s4  }
0x17: {  	vm0 =	vmmov $0xffff;
	v1 =	vshrl.u32 v2, $0x3;
	s5 =	simm.s32 $0x2;
	s6 =	simm.s32 $0x200;
	[dreg:$0x5] =	wrdreg s14  }
0x18: {  	v0 =	vand.u32 $0x7, v2;
	v2 =	vor.u32 $0x8, v2;
	v1 =	vmul.u32 $0x8, v1;
	s4 =	smax.u32 s2, $0x1;
	s14 =	simm.s32 $0x9200;
	s2 =	simm.s32 $0x11A00  }
.LBB2_1:
0x19: {  	s0 =	rddreg [dreg:$0x4]  }
0x1a: {  	[tilespmem:s3], [sflag:$0x2] =	stream.linear.gather [hbm4b:s0+s3], $0x180, $0x38;
	[tilespmem:$0x12200] =	vst v63  }
0x1b: {  	_ =	swait.ge [sflag:s5], $0x180  }
0x1c: {  	[sflag:s5] =	ssyncset.done $0x0  }
0x1d: {  	[sflag:s5] =	ssyncadd.s32 $0xFFFFFE80  }
0x1e: {  	v3 =	vld [tilespmem:$0x0];
	_ =	sdelay $0x4  }
0x1f: {  	v4 =	vshll.u32 v3, $0x1  }
0x20: {  	v3 =	vand.u32 $0x7, v3;
	v4 =	vand.u32 $0xFFFFFFF0, v4  }
0x21: {  	v3 =	vor.u32 v3, v4  }
0x22: {  	v4 =	vperm.xlane v3, v0;
	_ =	sdelay $0x1  }
0x23: {  	v3 =	vperm.xlane v3, v2;
	v4 =	vadd.s32 v1, v4;
	_ =	sdelay $0x1  }
0x24: {  	v3 =	vadd.s32 v1, v3;
	_ =	sdelay $0x2  }
0x25: {  	[tilespmem:s6], [sflag:$0x1] =	stream.indirect_vreg.gather [hbm4b:s1+s3], $0x80, v4, vm0, $0xb8;
	[tilespmem:$0x12200] =	vst v63  }
0x26: {  	s8 =	rddreg [dreg:$0x6]  }
0x27: {  	[tilespmem:s8], [sflag:$0x1] =	stream.indirect_vreg.gather [hbm4b:s1+s3], $0x80, v3, vm0, $0xb8;
	[tilespmem:$0x12200] =	vst v63  }
0x28: {  	v3 =	vld [tilespmem:$0x10];
	_ =	sdelay $0x4  }
0x29: {  	v47 =	vshll.u32 v3, $0x1  }
0x2a: {  	v3 =	vand.u32 $0x7, v3;
	v4 =	vand.u32 $0xFFFFFFF0, v47  }
0x2b: {  	v3 =	vor.u32 v3, v4  }
0x2c: {  	v4 =	vperm.xlane v3, v0;
	_ =	sdelay $0x1  }
0x2d: {  	v3 =	vperm.xlane v3, v2;
	v4 =	vadd.s32 v1, v4;
	_ =	sdelay $0x1  }
0x2e: {  	v3 =	vadd.s32 v1, v3;
	_ =	sdelay $0x1  }
0x2f: {  	s0 =	rddreg [dreg:$0x7]  }
0x30: {  	[tilespmem:s0], [sflag:$0x1] =	stream.indirect_vreg.gather [hbm4b:s1+s3], $0x80, v4, vm0, $0xb8;
	[tilespmem:$0x12200] =	vst v63  }
0x31: {  	s8 =	rddreg [dreg:$0x8]  }
0x32: {  	[tilespmem:s8], [sflag:$0x1] =	stream.indirect_vreg.gather [hbm4b:s1+s3], $0x80, v3, vm0, $0xb8;
	[tilespmem:$0x12200] =	vst v63  }
0x33: {  	v3 =	vld [tilespmem:$0x20];
	_ =	sdelay $0x4  }
0x34: {  	v48 =	vshll.u32 v3, $0x1  }
0x35: {  	v3 =	vand.u32 $0x7, v3;
	v4 =	vand.u32 $0xFFFFFFF0, v48  }
0x36: {  	v3 =	vor.u32 v3, v4  }
0x37: {  	v4 =	vperm.xlane v3, v0;
	_ =	sdelay $0x1  }
0x38: {  	v3 =	vperm.xlane v3, v2;
	v4 =	vadd.s32 v1, v4;
	_ =	sdelay $0x1  }
0x39: {  	v3 =	vadd.s32 v1, v3;
	_ =	sdelay $0x1  }
0x3a: {  	s0 =	rddreg [dreg:$0x9]  }
0x3b: {  	[tilespmem:s0], [sflag:$0x1] =	stream.indirect_vreg.gather [hbm4b:s1+s3], $0x80, v4, vm0, $0xb8;
	[tilespmem:$0x12200] =	vst v63  }
0x3c: {  	s8 =	rddreg [dreg:$0xa]  }
0x3d: {  	[tilespmem:s8], [sflag:$0x1] =	stream.indirect_vreg.gather [hbm4b:s1+s3], $0x80, v3, vm0, $0xb8;
	[tilespmem:$0x12200] =	vst v63  }
0x3e: {  	v3 =	vld [tilespmem:$0x30];
	_ =	sdelay $0x4  }
0x3f: {  	v49 =	vshll.u32 v3, $0x1  }
0x40: {  	v3 =	vand.u32 $0x7, v3;
	v4 =	vand.u32 $0xFFFFFFF0, v49  }
0x41: {  	v3 =	vor.u32 v3, v4  }
0x42: {  	v4 =	vperm.xlane v3, v0;
	_ =	sdelay $0x1  }
0x43: {  	v3 =	vperm.xlane v3, v2;
	v4 =	vadd.s32 v1, v4;
	_ =	sdelay $0x1  }
0x44: {  	v3 =	vadd.s32 v1, v3;
	_ =	sdelay $0x1  }
0x45: {  	s0 =	rddreg [dreg:$0xb]  }
0x46: {  	[tilespmem:s0], [sflag:$0x1] =	stream.indirect_vreg.gather [hbm4b:s1+s3], $0x80, v4, vm0, $0xb8;
	[tilespmem:$0x12200] =	vst v63  }
0x47: {  	s8 =	rddreg [dreg:$0xc]  }
0x48: {  	[tilespmem:s8], [sflag:$0x1] =	stream.indirect_vreg.gather [hbm4b:s1+s3], $0x80, v3, vm0, $0xb8;
	[tilespmem:$0x12200] =	vst v63  }
0x49: {  	v3 =	vld [tilespmem:$0x40];
	_ =	sdelay $0x4  }
0x4a: {  	v50 =	vshll.u32 v3, $0x1  }
0x4b: {  	v3 =	vand.u32 $0x7, v3;
	v4 =	vand.u32 $0xFFFFFFF0, v50  }
0x4c: {  	v3 =	vor.u32 v3, v4  }
0x4d: {  	v4 =	vperm.xlane v3, v0;
	_ =	sdelay $0x1  }
0x4e: {  	v3 =	vperm.xlane v3, v2;
	v4 =	vadd.s32 v1, v4;
	_ =	sdelay $0x1  }
0x4f: {  	v3 =	vadd.s32 v1, v3;
	_ =	sdelay $0x1  }
0x50: {  	s0 =	rddreg [dreg:$0xd]  }
0x51: {  	[tilespmem:s0], [sflag:$0x1] =	stream.indirect_vreg.gather [hbm4b:s1+s3], $0x80, v4, vm0, $0xb8;
	[tilespmem:$0x12200] =	vst v63  }
0x52: {  	s8 =	rddreg [dreg:$0xe]  }
0x53: {  	[tilespmem:s8], [sflag:$0x1] =	stream.indirect_vreg.gather [hbm4b:s1+s3], $0x80, v3, vm0, $0xb8;
	[tilespmem:$0x12200] =	vst v63  }
0x54: {  	v3 =	vld [tilespmem:$0x50];
	_ =	sdelay $0x4  }
0x55: {  	v51 =	vshll.u32 v3, $0x1  }
0x56: {  	v3 =	vand.u32 $0x7, v3;
	v4 =	vand.u32 $0xFFFFFFF0, v51  }
0x57: {  	v3 =	vor.u32 v3, v4  }
0x58: {  	v4 =	vperm.xlane v3, v0;
	_ =	sdelay $0x1  }
0x59: {  	v3 =	vperm.xlane v3, v2;
	v4 =	vadd.s32 v1, v4;
	_ =	sdelay $0x1  }
0x5a: {  	v3 =	vadd.s32 v1, v3;
	_ =	sdelay $0x1  }
0x5b: {  	s0 =	rddreg [dreg:$0xf]  }
0x5c: {  	[tilespmem:s0], [sflag:$0x1] =	stream.indirect_vreg.gather [hbm4b:s1+s3], $0x80, v4, vm0, $0xb8;
	[tilespmem:$0x12200] =	vst v63  }
0x5d: {  	s8 =	rddreg [dreg:$0x10]  }
0x5e: {  	[tilespmem:s8], [sflag:$0x1] =	stream.indirect_vreg.gather [hbm4b:s1+s3], $0x80, v3, vm0, $0xb8;
	[tilespmem:$0x12200] =	vst v63  }
0x5f: {  	_ =	swait.ge [sflag:s7], $0x6000  }
0x60: {  	[sflag:s7] =	ssyncset.done $0x0  }
0x61: {  	[sflag:s7] =	ssyncadd.s32 $0xFFFFA000  }
0x62: {  	v3 =	vld [tilespmem:$0x80];
	_ =	sdelay $0x4  }
0x63: {  	v52 =	vshll.u32 v3, $0x1  }
0x64: {  	v3 =	vand.u32 $0x7, v3;
	v4 =	vand.u32 $0xFFFFFFF0, v52  }
0x65: {  	v3 =	vor.u32 v3, v4  }
0x66: {  	v4 =	vperm.xlane v3, v0;
	_ =	sdelay $0x1  }
0x67: {  	v3 =	vperm.xlane v3, v2;
	v4 =	vadd.s32 v1, v4;
	_ =	sdelay $0x1  }
0x68: {  	v3 =	vadd.s32 v1, v3;
	_ =	sdelay $0x1  }
0x69: {  	s8 =	simm.s32 $0x6200  }
0x6a: {  	[tilespmem:s8], [sflag:$0x1] =	stream.indirect_vreg.gather [hbm4b:s1+s3], $0x80, v4, vm0, $0xb8;
	[tilespmem:$0x12200] =	vst v63  }
0x6b: {  	_ = 	snop  }
0x6c: {  	[tilespmem:s9], [sflag:$0x1] =	stream.indirect_vreg.gather [hbm4b:s1+s3], $0x80, v3, vm0, $0xb8;
	[tilespmem:$0x12200] =	vst v63  }
0x6d: {  	v3 =	vld [tilespmem:$0x90];
	_ =	sdelay $0x4  }
0x6e: {  	v53 =	vshll.u32 v3, $0x1  }
0x6f: {  	v3 =	vand.u32 $0x7, v3;
	v4 =	vand.u32 $0xFFFFFFF0, v53  }
0x70: {  	v3 =	vor.u32 v3, v4  }
0x71: {  	v4 =	vperm.xlane v3, v0;
	_ =	sdelay $0x1  }
0x72: {  	v3 =	vperm.xlane v3, v2;
	v4 =	vadd.s32 v1, v4;
	_ =	sdelay $0x1  }
0x73: {  	v3 =	vadd.s32 v1, v3;
	_ =	sdelay $0x2  }
0x74: {  	[tilespmem:s10], [sflag:$0x1] =	stream.indirect_vreg.gather [hbm4b:s1+s3], $0x80, v4, vm0, $0xb8;
	[tilespmem:$0x12200] =	vst v63  }
0x75: {  	_ = 	snop  }
0x76: {  	[tilespmem:s11], [sflag:$0x1] =	stream.indirect_vreg.gather [hbm4b:s1+s3], $0x80, v3, vm0, $0xb8;
	[tilespmem:$0x12200] =	vst v63  }
0x77: {  	v3 =	vld [tilespmem:$0xA0];
	_ =	sdelay $0x4  }
0x78: {  	v54 =	vshll.u32 v3, $0x1  }
0x79: {  	v3 =	vand.u32 $0x7, v3;
	v4 =	vand.u32 $0xFFFFFFF0, v54  }
0x7a: {  	v3 =	vor.u32 v3, v4  }
0x7b: {  	v4 =	vperm.xlane v3, v0;
	_ =	sdelay $0x1  }
0x7c: {  	v3 =	vperm.xlane v3, v2;
	v4 =	vadd.s32 v1, v4;
	_ =	sdelay $0x1  }
0x7d: {  	v3 =	vadd.s32 v1, v3;
	_ =	sdelay $0x2  }
0x7e: {  	[tilespmem:s12], [sflag:$0x1] =	stream.indirect_vreg.gather [hbm4b:s1+s3], $0x80, v4, vm0, $0xb8;
	[tilespmem:$0x12200] =	vst v63  }
0x7f: {  	_ = 	snop  }
0x80: {  	[tilespmem:s13], [sflag:$0x1] =	stream.indirect_vreg.gather [hbm4b:s1+s3], $0x80, v3, vm0, $0xb8;
	[tilespmem:$0x12200] =	vst v63  }
0x81: {  	v3 =	vld [tilespmem:$0xB0];
	_ =	sdelay $0x4  }
0x82: {  	v55 =	vshll.u32 v3, $0x1  }
0x83: {  	v3 =	vand.u32 $0x7, v3;
	v4 =	vand.u32 $0xFFFFFFF0, v55  }
0x84: {  	v3 =	vor.u32 v3, v4  }
0x85: {  	v4 =	vperm.xlane v3, v0;
	_ =	sdelay $0x1  }
0x86: {  	v3 =	vperm.xlane v3, v2;
	v4 =	vadd.s32 v1, v4;
	_ =	sdelay $0x1  }
0x87: {  	v3 =	vadd.s32 v1, v3;
	_ =	sdelay $0x2  }
0x88: {  	[tilespmem:s14], [sflag:$0x1] =	stream.indirect_vreg.gather [hbm4b:s1+s3], $0x80, v4, vm0, $0xb8;
	[tilespmem:$0x12200] =	vst v63  }
0x89: {  	_ = 	snop  }
0x8a: {  	[tilespmem:s15], [sflag:$0x1] =	stream.indirect_vreg.gather [hbm4b:s1+s3], $0x80, v3, vm0, $0xb8;
	[tilespmem:$0x12200] =	vst v63  }
0x8b: {  	v3 =	vld [tilespmem:$0xC0];
	_ =	sdelay $0x4  }
0x8c: {  	v56 =	vshll.u32 v3, $0x1  }
0x8d: {  	v3 =	vand.u32 $0x7, v3;
	v4 =	vand.u32 $0xFFFFFFF0, v56  }
0x8e: {  	v3 =	vor.u32 v3, v4  }
0x8f: {  	v4 =	vperm.xlane v3, v0;
	_ =	sdelay $0x1  }
0x90: {  	v3 =	vperm.xlane v3, v2;
	v4 =	vadd.s32 v1, v4;
	_ =	sdelay $0x1  }
0x91: {  	v3 =	vadd.s32 v1, v3;
	_ =	sdelay $0x2  }
0x92: {  	[tilespmem:s16], [sflag:$0x1] =	stream.indirect_vreg.gather [hbm4b:s1+s3], $0x80, v4, vm0, $0xb8;
	[tilespmem:$0x12200] =	vst v63  }
0x93: {  	_ = 	snop  }
0x94: {  	[tilespmem:s17], [sflag:$0x1] =	stream.indirect_vreg.gather [hbm4b:s1+s3], $0x80, v3, vm0, $0xb8;
	[tilespmem:$0x12200] =	vst v63  }
0x95: {  	v3 =	vld [tilespmem:$0xD0];
	_ =	sdelay $0x4  }
0x96: {  	v57 =	vshll.u32 v3, $0x1  }
0x97: {  	v3 =	vand.u32 $0x7, v3;
	v4 =	vand.u32 $0xFFFFFFF0, v57  }
0x98: {  	v3 =	vor.u32 v3, v4  }
0x99: {  	v4 =	vperm.xlane v3, v0;
	_ =	sdelay $0x1  }
0x9a: {  	v3 =	vperm.xlane v3, v2;
	v4 =	vadd.s32 v1, v4;
	_ =	sdelay $0x1  }
0x9b: {  	v3 =	vadd.s32 v1, v3;
	_ =	sdelay $0x2  }
0x9c: {  	[tilespmem:s18], [sflag:$0x1] =	stream.indirect_vreg.gather [hbm4b:s1+s3], $0x80, v4, vm0, $0xb8;
	[tilespmem:$0x12200] =	vst v63  }
0x9d: {  	_ = 	snop  }
0x9e: {  	[tilespmem:s19], [sflag:$0x1] =	stream.indirect_vreg.gather [hbm4b:s1+s3], $0x80, v3, vm0, $0xb8;
	[tilespmem:$0x12200] =	vst v63  }
0x9f: {  	_ =	swait.ge [sflag:s7], $0x6000  }
0xa0: {  	[sflag:s7] =	ssyncset.done $0x0  }
0xa1: {  	[sflag:s7] =	ssyncadd.s32 $0xFFFFA000  }
0xa2: {  	v3 =	vld [tilespmem:$0x100];
	_ =	sdelay $0x4  }
0xa3: {  	v58 =	vshll.u32 v3, $0x1  }
0xa4: {  	v3 =	vand.u32 $0x7, v3;
	v4 =	vand.u32 $0xFFFFFFF0, v58  }
0xa5: {  	v3 =	vor.u32 v3, v4  }
0xa6: {  	v4 =	vperm.xlane v3, v0;
	_ =	sdelay $0x1  }
0xa7: {  	v3 =	vperm.xlane v3, v2;
	v4 =	vadd.s32 v1, v4;
	_ =	sdelay $0x1  }
0xa8: {  	v3 =	vadd.s32 v1, v3;
	_ =	sdelay $0x2  }
0xa9: {  	[tilespmem:s20], [sflag:$0x1] =	stream.indirect_vreg.gather [hbm4b:s1+s3], $0x80, v4, vm0, $0xb8;
	[tilespmem:$0x12200] =	vst v63  }
0xaa: {  	_ = 	snop  }
0xab: {  	[tilespmem:s21], [sflag:$0x1] =	stream.indirect_vreg.gather [hbm4b:s1+s3], $0x80, v3, vm0, $0xb8;
	[tilespmem:$0x12200] =	vst v63  }
0xac: {  	v3 =	vld [tilespmem:$0x110];
	_ =	sdelay $0x4  }
0xad: {  	v59 =	vshll.u32 v3, $0x1  }
0xae: {  	v3 =	vand.u32 $0x7, v3;
	v4 =	vand.u32 $0xFFFFFFF0, v59  }
0xaf: {  	v3 =	vor.u32 v3, v4  }
0xb0: {  	v4 =	vperm.xlane v3, v0;
	_ =	sdelay $0x1  }
0xb1: {  	v3 =	vperm.xlane v3, v2;
	v4 =	vadd.s32 v1, v4;
	_ =	sdelay $0x1  }
0xb2: {  	v3 =	vadd.s32 v1, v3;
	_ =	sdelay $0x2  }
0xb3: {  	[tilespmem:s22], [sflag:$0x1] =	stream.indirect_vreg.gather [hbm4b:s1+s3], $0x80, v4, vm0, $0xb8;
	[tilespmem:$0x12200] =	vst v63  }
0xb4: {  	_ = 	snop  }
0xb5: {  	[tilespmem:s23], [sflag:$0x1] =	stream.indirect_vreg.gather [hbm4b:s1+s3], $0x80, v3, vm0, $0xb8;
	[tilespmem:$0x12200] =	vst v63  }
0xb6: {  	v3 =	vld [tilespmem:$0x120];
	_ =	sdelay $0x4  }
0xb7: {  	v60 =	vshll.u32 v3, $0x1  }
0xb8: {  	v3 =	vand.u32 $0x7, v3;
	v4 =	vand.u32 $0xFFFFFFF0, v60  }
0xb9: {  	v3 =	vor.u32 v3, v4  }
0xba: {  	v4 =	vperm.xlane v3, v0;
	_ =	sdelay $0x1  }
0xbb: {  	v3 =	vperm.xlane v3, v2;
	v4 =	vadd.s32 v1, v4;
	_ =	sdelay $0x1  }
0xbc: {  	v3 =	vadd.s32 v1, v3;
	_ =	sdelay $0x2  }
0xbd: {  	[tilespmem:s24], [sflag:$0x1] =	stream.indirect_vreg.gather [hbm4b:s1+s3], $0x80, v4, vm0, $0xb8;
	[tilespmem:$0x12200] =	vst v63  }
0xbe: {  	_ = 	snop  }
0xbf: {  	[tilespmem:s25], [sflag:$0x1] =	stream.indirect_vreg.gather [hbm4b:s1+s3], $0x80, v3, vm0, $0xb8;
	[tilespmem:$0x12200] =	vst v63  }
0xc0: {  	v3 =	vld [tilespmem:$0x130];
	_ =	sdelay $0x4  }
0xc1: {  	v61 =	vshll.u32 v3, $0x1  }
0xc2: {  	v3 =	vand.u32 $0x7, v3;
	v4 =	vand.u32 $0xFFFFFFF0, v61  }
0xc3: {  	v3 =	vor.u32 v3, v4  }
0xc4: {  	v4 =	vperm.xlane v3, v0;
	_ =	sdelay $0x1  }
0xc5: {  	v3 =	vperm.xlane v3, v2;
	v4 =	vadd.s32 v1, v4;
	_ =	sdelay $0x1  }
0xc6: {  	v3 =	vadd.s32 v1, v3;
	_ =	sdelay $0x2  }
0xc7: {  	[tilespmem:s26], [sflag:$0x1] =	stream.indirect_vreg.gather [hbm4b:s1+s3], $0x80, v4, vm0, $0xb8;
	[tilespmem:$0x12200] =	vst v63  }
0xc8: {  	_ = 	snop  }
0xc9: {  	[tilespmem:s28], [sflag:$0x1] =	stream.indirect_vreg.gather [hbm4b:s1+s3], $0x80, v3, vm0, $0xb8;
	[tilespmem:$0x12200] =	vst v63  }
0xca: {  	v3 =	vld [tilespmem:$0x140];
	_ =	sdelay $0x4  }
0xcb: {  	v62 =	vshll.u32 v3, $0x1  }
0xcc: {  	v3 =	vand.u32 $0x7, v3;
	v4 =	vand.u32 $0xFFFFFFF0, v62  }
0xcd: {  	v3 =	vor.u32 v3, v4  }
0xce: {  	v4 =	vperm.xlane v3, v0;
	_ =	sdelay $0x1  }
0xcf: {  	v3 =	vperm.xlane v3, v2;
	v4 =	vadd.s32 v1, v4;
	_ =	sdelay $0x1  }
0xd0: {  	v3 =	vadd.s32 v1, v3;
	_ =	sdelay $0x2  }
0xd1: {  	[tilespmem:s29], [sflag:$0x1] =	stream.indirect_vreg.gather [hbm4b:s1+s3], $0x80, v4, vm0, $0xb8;
	[tilespmem:$0x12200] =	vst v63  }
0xd2: {  	_ = 	snop  }
0xd3: {  	[tilespmem:s30], [sflag:$0x1] =	stream.indirect_vreg.gather [hbm4b:s1+s3], $0x80, v3, vm0, $0xb8;
	[tilespmem:$0x12200] =	vst v63  }
0xd4: {  	v3 =	vld [tilespmem:$0x150];
	_ =	sdelay $0x4  }
0xd5: {  	v63 =	vshll.u32 v3, $0x1  }
0xd6: {  	v3 =	vand.u32 $0x7, v3;
	v4 =	vand.u32 $0xFFFFFFF0, v63  }
0xd7: {  	v3 =	vor.u32 v3, v4  }
0xd8: {  	v4 =	vperm.xlane v3, v0;
	_ =	sdelay $0x1  }
0xd9: {  	v3 =	vperm.xlane v3, v2;
	v4 =	vadd.s32 v1, v4;
	_ =	sdelay $0x1  }
0xda: {  	v3 =	vadd.s32 v1, v3;
	_ =	sdelay $0x2  }
0xdb: {  	[tilespmem:s31], [sflag:$0x1] =	stream.indirect_vreg.gather [hbm4b:s1+s3], $0x80, v4, vm0, $0xb8;
	[tilespmem:$0x12200] =	vst v63  }
0xdc: {  	_ = 	snop  }
0xdd: {  	[tilespmem:s2], [sflag:$0x1] =	stream.indirect_vreg.gather [hbm4b:s1+s3], $0x80, v3, vm0, $0xb8;
	[tilespmem:$0x12200] =	vst v63  }
0xde: {  	_ =	swait.ge [sflag:s7], $0x6000  }
0xdf: {  	p0 =	sne.s32 s4, $0x1;
	[sflag:s7] =	ssyncset.done $0x0  }
.Ltmp0:
0xe0: {  	s8 =	rddreg [dreg:$0x5];
	[sflag:s7] =	ssyncadd.s32 $0xFFFFA000;
	(pc) =	sbr.rel @p0 .LBB2_1-.Ltmp0, $4  }
0xe1: {  	[hbm4b:s8+s3] =	stream.linear.scatter [tilespmem:s6], [sflag:$0x2], $0x12000, $0x38;
	[tilespmem:$0x12200] =	vst v63  }
0xe2: {  	_ =	swait.ge [sflag:s5], $0x12000  }
0xe3: {  	[sflag:s5] =	ssyncset.done $0x0  }
0xe4: {  	s4 =	sadd.s32 $0xFFFFFFFF, s4;
	[sflag:s5] =	ssyncadd.s32 $0xFFFEE000  }
0xe5: {  	_ =	sfence.sel $0x180000  }
0xe6: {  	[bflag:$0x0] =	sbarrier.arrive $0xFFFF  }
0xe7: {  	_ =	strace $0x90000047  }
0xe8: {  	s0 =	stileid.u32;
	[bflag:$0x2] =	sbarrier.arrive $0xFFFF  }
0xe9: {  	p0 =	sne.s32 s0, $0x0;
	s0 =	rddreg [dreg:$0x3]  }
0xea: {  	s0 =	sadd.s32 @!p0 $0x100000, s0  }
0xeb: {  	[sflag:s0] =	ssyncadd.tile.s32 @!p0 $0x1;
	_ =	shalt  }
.Lfunc_end2:
_tile_overlayer_lowered:
.L_overlay_start_2:
0xec: {  	(tag) =	ssettag $0x2  }
0xed: {  	s0 =	rddreg [dreg:$0x0];
	s2 =	stileid.u32  }
0xee: {  	s1 =	rddreg [dreg:$0x1];
	p0 =	sne.s32 s2, $0x0  }
0xef: {  	s3 =	rddreg [dreg:$0x2];
	[bflag:$0x3] =	sbarrier.arrive $0xFFFF;
	s2 =	simm.s32 @!p0 $0x1C02  }
0xf0: {  	[timem:s3], [sflag:s2] =	dma.local @!p0 [hbm:s0], s1  }
0xf1: {  	s0 =	simm.s32 @!p0 $0x2  }
0xf2: {  	_ =	swait.ge @!p0 [sflag:s0], s1  }
0xf3: {  	s1 =	ssub.s32 @!p0 $0x0, s1;
	[sflag:s0] =	ssyncset.done @!p0 $0x0  }
0xf4: {  	[sflag:s0] =	ssyncadd.s32 @!p0 s1  }
0xf5: {  	[bflag:$0x3] =	sbarrier.arrive $0xFFFF  }
0xf6: {  	_ =	shalt  }

</sc_bundles>
